<compile_context>
chip_gen: v7x
topology: tpu7x:2x2x1
jax: 0.10.2.dev20260603
libtpu: 0.0.44.dev20260713+nightly
codegen_flags: <defaults>
</compile_context>

<pallas_src>
import functools

import jax
import jax.numpy as jnp
from jax import lax
from jax.experimental import pallas as pl
from jax.experimental.pallas import tpu as pltpu
from jax.experimental.pallas import tpu_sc as plsc

NUM_CORES = 2
NUM_SUBCORES = 16
NW = NUM_CORES * NUM_SUBCORES


@functools.lru_cache(maxsize=None)
def _build(BATCH, HIST, V, D, K, NBUF):
    s_per_w = BATCH // NW
    n_chunks = s_per_w // K
    assert s_per_w % K == 0 and n_chunks >= NBUF
    b_per_w = s_per_w * HIST

    mesh = plsc.VectorSubcoreMesh(
        core_axis_name="c", subcore_axis_name="s",
        num_cores=NUM_CORES, num_subcores=NUM_SUBCORES)

    @functools.partial(
        pl.kernel,
        out_type=jax.ShapeDtypeStruct((BATCH, 56, 128), jnp.float32),
        mesh=mesh,
        compiler_params=pltpu.CompilerParams(use_tc_tiling_on_sc=False),
        scratch_types=[
            pltpu.VMEM((s_per_w, 56), jnp.int32),
            pltpu.VMEM((NBUF, K, 56, D), jnp.float32),
            pltpu.SemaphoreType.DMA,
            pltpu.SemaphoreType.DMA,
        ],
    )
    def k(idx_hbm, table_hbm, out_hbm, idx_v, rows_v, gsem, osem):
        wid = lax.axis_index("s") * NUM_CORES + lax.axis_index("c")
        sbase = wid * s_per_w
        pltpu.sync_copy(idx_hbm.at[pl.ds(sbase, s_per_w), pl.ds(0, 56)], idx_v)

        def gather_start(i, buf):
            for j in range(K):
                pltpu.make_async_copy(
                    table_hbm.at[idx_v.at[i * K + j]],
                    rows_v.at[buf, j], gsem).start()

        def gather_wait(i, buf):
            for j in range(K):
                pltpu.make_async_copy(
                    table_hbm.at[idx_v.at[i * K + j]],
                    rows_v.at[buf, j], gsem).wait()

        def put_desc(i, buf):
            return pltpu.make_async_copy(
                rows_v.at[buf],
                out_hbm.at[pl.ds(sbase + i * K, K), pl.ds(0, 56), pl.ds(0, D)],
                osem)

        for j in range(NBUF - 1):
            gather_start(j, j)

        @pl.loop(0, n_chunks)
        def _(i):
            buf = lax.rem(i, NBUF)
            gather_wait(i, buf)

            @pl.when(i >= 1)
            def _():
                put_desc(i - 1, lax.rem(i - 1, NBUF)).wait()

            nxt = i + NBUF - 1

            @pl.when(nxt < n_chunks)
            def _():
                gather_start(nxt, lax.rem(nxt, NBUF))

            put_desc(i, buf).start()

        put_desc(n_chunks - 1, (n_chunks - 1) % NBUF).wait()

    return k


def kernel(input_, table):
    batch, hist = input_.shape
    v, d = table.shape
    i32 = input_.astype(jnp.int32)
    idx = jnp.minimum(jnp.concatenate([i32, i32, i32[:, :28]], axis=1), v - 1)
    out = _build(batch, hist, v, d, 8, 4)(idx, table)
    return out[:, :hist, :d]

# --- scband reference (transcript-rebuilt; emitter-appended) ---
"""Pipeline reference for scband-grouped-embedding-72241349918733 (READ-ONLY COPY).

The authoritative reference and input builder live on the scoring server;
editing this copy changes nothing except your own understanding.
"""

import jax, jax.numpy as jnp
import numpy as np

NUM_EMBEDDINGS = 100000
EMBED_DIM = 64
LEN_PER_GROUP = 1000
BATCH = 4096
HIST = 50


def setup_inputs(seed: int = 0) -> dict:
    key = jax.random.key(seed)
    k1, k2 = jax.random.split(key)
    input_ = jax.random.randint(k1, (BATCH, HIST), 0, NUM_EMBEDDINGS, dtype=jnp.int64 if jax.config.jax_enable_x64 else jnp.int32)
    # Learned parameter: the concatenation of all grouped embedding tables.
    # GroupedEmbedding slices one big [num_embeddings, dim] weight into
    # contiguous groups of len_per_group rows, so a single table is faithful.
    table = jax.random.normal(k2, (NUM_EMBEDDINGS, EMBED_DIM), dtype=jnp.float32) * 0.02
    return {"input_": input_, "table": table}


def reference(input_, table):
    # Faithful translation of GroupedEmbedding.forward:
    #   group = input // len_per_group
    #   local = input - group * len_per_group
    #   output[mask] = grouped_embeddings[group](local)
    # The per-group dispatch + masked scatter is mathematically a
    # two-level gather into the stacked group weights.
    group = input_ // LEN_PER_GROUP
    local = input_ - group * LEN_PER_GROUP
    n_groups = table.shape[0] // LEN_PER_GROUP
    grouped = table.reshape(n_groups, LEN_PER_GROUP, EMBED_DIM)
    out = grouped[group, local]  # gather -> [BATCH, HIST, EMBED_DIM]
    return out

if __name__ == "__main__":
    import jax
    _d = setup_inputs()
    print(jax.jit(kernel)(*tuple(_d.values())))

</pallas_src>

<mosaic_0001>
#map = affine_map<(d0, d1) -> (0, 0)>
#map1 = affine_map<(d0, d1) -> (0, 0, 0)>
module attributes {stable_mosaic.version = 14 : i64} {
  func.func @k(%arg0: i32, %arg1: i32, %arg2: memref<4096x128xi32, #tpu.memory_space<hbm>>, %arg3: memref<100000x64xf32, #tpu.memory_space<hbm>>, %arg4: memref<4096x56x128xf32, #tpu.memory_space<hbm>>, %arg5: memref<128x56xi32, #tpu.memory_space<vmem>>, %arg6: memref<4x8x56x64xf32, #tpu.memory_space<vmem>>, %arg7: memref<!tpu.dma_semaphore, #tpu.memory_space<semaphore_mem>>, %arg8: memref<!tpu.dma_semaphore, #tpu.memory_space<semaphore_mem>>) attributes {dimension_semantics = [#tpu.dimension_semantics<core_parallel>, #tpu.dimension_semantics<subcore_parallel>], iteration_bounds = array<i64: 2, 16>, scalar_prefetch = 0 : i64, scratch_operands = 4 : i64, tpu.core_type = #tpu.core_type<sc_vector_subcore>, window_params = [{transform_indices = #map}, {transform_indices = #map}, {transform_indices = #map1}]} {
    %mul3A = arith.constant 2 : i32
    %mul3A_0 = arith.muli %arg1, %mul3A : i32
    %add3A = arith.addi %mul3A_0, %arg0 : i32
    %mul3A_1 = arith.constant 128 : i32
    %mul3A_2 = arith.muli %add3A, %mul3A_1 : i32
    "tpu.region"() ({
      %run_scoped3A = tpu.sem_alloc : memref<!tpu.dma_semaphore, #tpu.memory_space<semaphore_mem>>
      %dma_start3A_336 = arith.constant 0 : i32
      %dma_start3A_337 = tpu.memref_slice %arg2[%mul3A_2, %dma_start3A_336] : memref<4096x128xi32, #tpu.memory_space<hbm>> -> memref<128x56xi32, #tpu.memory_space<hbm>>
      %dma_start3A_338 = arith.constant 0 : i32
      %dma_start3A_339 = tpu.memref_slice %arg2[%mul3A_2, %dma_start3A_338] : memref<4096x128xi32, #tpu.memory_space<hbm>> -> memref<128x56xi32, #tpu.memory_space<hbm>>
      tpu.enqueue_dma source(%dma_start3A_339 : memref<128x56xi32, #tpu.memory_space<hbm>>) target(%arg5 : memref<128x56xi32, #tpu.memory_space<vmem>>) target_semaphore(%run_scoped3A : memref<!tpu.dma_semaphore, #tpu.memory_space<semaphore_mem>>)
      %dma_wait3A_340 = arith.constant 0 : i32
      %dma_wait3A_341 = tpu.memref_slice %arg2[%mul3A_2, %dma_wait3A_340] : memref<4096x128xi32, #tpu.memory_space<hbm>> -> memref<128x56xi32, #tpu.memory_space<hbm>>
      %dma_wait3A_342 = arith.constant 0 : i32
      %dma_wait3A_343 = tpu.memref_slice %arg2[%mul3A_2, %dma_wait3A_342] : memref<4096x128xi32, #tpu.memory_space<hbm>> -> memref<128x56xi32, #tpu.memory_space<hbm>>
      tpu.wait_dma2 semaphore(%run_scoped3A : memref<!tpu.dma_semaphore, #tpu.memory_space<semaphore_mem>>) src(%dma_wait3A_343 : memref<128x56xi32, #tpu.memory_space<hbm>>) dst(%arg5 : memref<128x56xi32, #tpu.memory_space<vmem>>)
      tpu.yield
    }) : () -> ()
    %dma_start3A = arith.constant 0 : i32
    %dma_start3A_3 = arith.constant 0 : i32
    %dma_start3A_4 = arith.constant 0 : i32
    %dma_start3A_5 = arith.constant 0 : i32
    %dma_start3A_6 = arith.constant 0 : i32
    %dma_start3A_7 = tpu.memref_slice %arg6[%dma_start3A_3, %dma_start3A_4, %dma_start3A_5, %dma_start3A_6] : memref<4x8x56x64xf32, #tpu.memory_space<vmem>> -> memref<1x1x56x64xf32, #tpu.memory_space<vmem>>
    %dma_start3A_8 = tpu.memref_squeeze %dma_start3A_7 : memref<1x1x56x64xf32, #tpu.memory_space<vmem>> -> memref<56x64xf32, #tpu.memory_space<vmem>>
    %dma_start3A_9 = arith.constant 0 : i32
    %dma_start3A_10 = tpu.memref_slice %arg5[%dma_start3A, %dma_start3A_9] : memref<128x56xi32, #tpu.memory_space<vmem>> -> memref<1x56xi32, #tpu.memory_space<vmem>>
    %dma_start3A_11 = tpu.memref_squeeze %dma_start3A_10 : memref<1x56xi32, #tpu.memory_space<vmem>> -> memref<56xi32, #tpu.memory_space<vmem>>
    %dma_start3A_12 = arith.constant 0 : i32
    %dma_start3A_13 = arith.constant 0 : i32
    %dma_start3A_14 = tpu.memref_slice %arg3[%dma_start3A_12, %dma_start3A_13] : memref<100000x64xf32, #tpu.memory_space<hbm>> -> memref<100000x64xf32, #tpu.memory_space<hbm>>
    tpu.enqueue_indirect_dma source(%dma_start3A_14 : memref<100000x64xf32, #tpu.memory_space<hbm>>) target(%dma_start3A_8 : memref<56x64xf32, #tpu.memory_space<vmem>>) offsets(%dma_start3A_11 : memref<56xi32, #tpu.memory_space<vmem>>) semaphore(%arg7 : memref<!tpu.dma_semaphore, #tpu.memory_space<semaphore_mem>>)
    %dma_start3A_15 = arith.constant 1 : i32
    %dma_start3A_16 = arith.constant 0 : i32
    %dma_start3A_17 = arith.constant 1 : i32
    %dma_start3A_18 = arith.constant 0 : i32
    %dma_start3A_19 = arith.constant 0 : i32
    %dma_start3A_20 = tpu.memref_slice %arg6[%dma_start3A_16, %dma_start3A_17, %dma_start3A_18, %dma_start3A_19] : memref<4x8x56x64xf32, #tpu.memory_space<vmem>> -> memref<1x1x56x64xf32, #tpu.memory_space<vmem>>
    %dma_start3A_21 = tpu.memref_squeeze %dma_start3A_20 : memref<1x1x56x64xf32, #tpu.memory_space<vmem>> -> memref<56x64xf32, #tpu.memory_space<vmem>>
    %dma_start3A_22 = arith.constant 0 : i32
    %dma_start3A_23 = tpu.memref_slice %arg5[%dma_start3A_15, %dma_start3A_22] : memref<128x56xi32, #tpu.memory_space<vmem>> -> memref<1x56xi32, #tpu.memory_space<vmem>>
    %dma_start3A_24 = tpu.memref_squeeze %dma_start3A_23 : memref<1x56xi32, #tpu.memory_space<vmem>> -> memref<56xi32, #tpu.memory_space<vmem>>
    %dma_start3A_25 = arith.constant 0 : i32
    %dma_start3A_26 = arith.constant 0 : i32
    %dma_start3A_27 = tpu.memref_slice %arg3[%dma_start3A_25, %dma_start3A_26] : memref<100000x64xf32, #tpu.memory_space<hbm>> -> memref<100000x64xf32, #tpu.memory_space<hbm>>
    tpu.enqueue_indirect_dma source(%dma_start3A_27 : memref<100000x64xf32, #tpu.memory_space<hbm>>) target(%dma_start3A_21 : memref<56x64xf32, #tpu.memory_space<vmem>>) offsets(%dma_start3A_24 : memref<56xi32, #tpu.memory_space<vmem>>) semaphore(%arg7 : memref<!tpu.dma_semaphore, #tpu.memory_space<semaphore_mem>>)
    %dma_start3A_28 = arith.constant 2 : i32
    %dma_start3A_29 = arith.constant 0 : i32
    %dma_start3A_30 = arith.constant 2 : i32
    %dma_start3A_31 = arith.constant 0 : i32
    %dma_start3A_32 = arith.constant 0 : i32
    %dma_start3A_33 = tpu.memref_slice %arg6[%dma_start3A_29, %dma_start3A_30, %dma_start3A_31, %dma_start3A_32] : memref<4x8x56x64xf32, #tpu.memory_space<vmem>> -> memref<1x1x56x64xf32, #tpu.memory_space<vmem>>
    %dma_start3A_34 = tpu.memref_squeeze %dma_start3A_33 : memref<1x1x56x64xf32, #tpu.memory_space<vmem>> -> memref<56x64xf32, #tpu.memory_space<vmem>>
    %dma_start3A_35 = arith.constant 0 : i32
    %dma_start3A_36 = tpu.memref_slice %arg5[%dma_start3A_28, %dma_start3A_35] : memref<128x56xi32, #tpu.memory_space<vmem>> -> memref<1x56xi32, #tpu.memory_space<vmem>>
    %dma_start3A_37 = tpu.memref_squeeze %dma_start3A_36 : memref<1x56xi32, #tpu.memory_space<vmem>> -> memref<56xi32, #tpu.memory_space<vmem>>
    %dma_start3A_38 = arith.constant 0 : i32
    %dma_start3A_39 = arith.constant 0 : i32
    %dma_start3A_40 = tpu.memref_slice %arg3[%dma_start3A_38, %dma_start3A_39] : memref<100000x64xf32, #tpu.memory_space<hbm>> -> memref<100000x64xf32, #tpu.memory_space<hbm>>
    tpu.enqueue_indirect_dma source(%dma_start3A_40 : memref<100000x64xf32, #tpu.memory_space<hbm>>) target(%dma_start3A_34 : memref<56x64xf32, #tpu.memory_space<vmem>>) offsets(%dma_start3A_37 : memref<56xi32, #tpu.memory_space<vmem>>) semaphore(%arg7 : memref<!tpu.dma_semaphore, #tpu.memory_space<semaphore_mem>>)
    %dma_start3A_41 = arith.constant 3 : i32
    %dma_start3A_42 = arith.constant 0 : i32
    %dma_start3A_43 = arith.constant 3 : i32
    %dma_start3A_44 = arith.constant 0 : i32
    %dma_start3A_45 = arith.constant 0 : i32
    %dma_start3A_46 = tpu.memref_slice %arg6[%dma_start3A_42, %dma_start3A_43, %dma_start3A_44, %dma_start3A_45] : memref<4x8x56x64xf32, #tpu.memory_space<vmem>> -> memref<1x1x56x64xf32, #tpu.memory_space<vmem>>
    %dma_start3A_47 = tpu.memref_squeeze %dma_start3A_46 : memref<1x1x56x64xf32, #tpu.memory_space<vmem>> -> memref<56x64xf32, #tpu.memory_space<vmem>>
    %dma_start3A_48 = arith.constant 0 : i32
    %dma_start3A_49 = tpu.memref_slice %arg5[%dma_start3A_41, %dma_start3A_48] : memref<128x56xi32, #tpu.memory_space<vmem>> -> memref<1x56xi32, #tpu.memory_space<vmem>>
    %dma_start3A_50 = tpu.memref_squeeze %dma_start3A_49 : memref<1x56xi32, #tpu.memory_space<vmem>> -> memref<56xi32, #tpu.memory_space<vmem>>
    %dma_start3A_51 = arith.constant 0 : i32
    %dma_start3A_52 = arith.constant 0 : i32
    %dma_start3A_53 = tpu.memref_slice %arg3[%dma_start3A_51, %dma_start3A_52] : memref<100000x64xf32, #tpu.memory_space<hbm>> -> memref<100000x64xf32, #tpu.memory_space<hbm>>
    tpu.enqueue_indirect_dma source(%dma_start3A_53 : memref<100000x64xf32, #tpu.memory_space<hbm>>) target(%dma_start3A_47 : memref<56x64xf32, #tpu.memory_space<vmem>>) offsets(%dma_start3A_50 : memref<56xi32, #tpu.memory_space<vmem>>) semaphore(%arg7 : memref<!tpu.dma_semaphore, #tpu.memory_space<semaphore_mem>>)
    %dma_start3A_54 = arith.constant 4 : i32
    %dma_start3A_55 = arith.constant 0 : i32
    %dma_start3A_56 = arith.constant 4 : i32
    %dma_start3A_57 = arith.constant 0 : i32
    %dma_start3A_58 = arith.constant 0 : i32
    %dma_start3A_59 = tpu.memref_slice %arg6[%dma_start3A_55, %dma_start3A_56, %dma_start3A_57, %dma_start3A_58] : memref<4x8x56x64xf32, #tpu.memory_space<vmem>> -> memref<1x1x56x64xf32, #tpu.memory_space<vmem>>
    %dma_start3A_60 = tpu.memref_squeeze %dma_start3A_59 : memref<1x1x56x64xf32, #tpu.memory_space<vmem>> -> memref<56x64xf32, #tpu.memory_space<vmem>>
    %dma_start3A_61 = arith.constant 0 : i32
    %dma_start3A_62 = tpu.memref_slice %arg5[%dma_start3A_54, %dma_start3A_61] : memref<128x56xi32, #tpu.memory_space<vmem>> -> memref<1x56xi32, #tpu.memory_space<vmem>>
    %dma_start3A_63 = tpu.memref_squeeze %dma_start3A_62 : memref<1x56xi32, #tpu.memory_space<vmem>> -> memref<56xi32, #tpu.memory_space<vmem>>
    %dma_start3A_64 = arith.constant 0 : i32
    %dma_start3A_65 = arith.constant 0 : i32
    %dma_start3A_66 = tpu.memref_slice %arg3[%dma_start3A_64, %dma_start3A_65] : memref<100000x64xf32, #tpu.memory_space<hbm>> -> memref<100000x64xf32, #tpu.memory_space<hbm>>
    tpu.enqueue_indirect_dma source(%dma_start3A_66 : memref<100000x64xf32, #tpu.memory_space<hbm>>) target(%dma_start3A_60 : memref<56x64xf32, #tpu.memory_space<vmem>>) offsets(%dma_start3A_63 : memref<56xi32, #tpu.memory_space<vmem>>) semaphore(%arg7 : memref<!tpu.dma_semaphore, #tpu.memory_space<semaphore_mem>>)
    %dma_start3A_67 = arith.constant 5 : i32
    %dma_start3A_68 = arith.constant 0 : i32
    %dma_start3A_69 = arith.constant 5 : i32
    %dma_start3A_70 = arith.constant 0 : i32
    %dma_start3A_71 = arith.constant 0 : i32
    %dma_start3A_72 = tpu.memref_slice %arg6[%dma_start3A_68, %dma_start3A_69, %dma_start3A_70, %dma_start3A_71] : memref<4x8x56x64xf32, #tpu.memory_space<vmem>> -> memref<1x1x56x64xf32, #tpu.memory_space<vmem>>
    %dma_start3A_73 = tpu.memref_squeeze %dma_start3A_72 : memref<1x1x56x64xf32, #tpu.memory_space<vmem>> -> memref<56x64xf32, #tpu.memory_space<vmem>>
    %dma_start3A_74 = arith.constant 0 : i32
    %dma_start3A_75 = tpu.memref_slice %arg5[%dma_start3A_67, %dma_start3A_74] : memref<128x56xi32, #tpu.memory_space<vmem>> -> memref<1x56xi32, #tpu.memory_space<vmem>>
    %dma_start3A_76 = tpu.memref_squeeze %dma_start3A_75 : memref<1x56xi32, #tpu.memory_space<vmem>> -> memref<56xi32, #tpu.memory_space<vmem>>
    %dma_start3A_77 = arith.constant 0 : i32
    %dma_start3A_78 = arith.constant 0 : i32
    %dma_start3A_79 = tpu.memref_slice %arg3[%dma_start3A_77, %dma_start3A_78] : memref<100000x64xf32, #tpu.memory_space<hbm>> -> memref<100000x64xf32, #tpu.memory_space<hbm>>
    tpu.enqueue_indirect_dma source(%dma_start3A_79 : memref<100000x64xf32, #tpu.memory_space<hbm>>) target(%dma_start3A_73 : memref<56x64xf32, #tpu.memory_space<vmem>>) offsets(%dma_start3A_76 : memref<56xi32, #tpu.memory_space<vmem>>) semaphore(%arg7 : memref<!tpu.dma_semaphore, #tpu.memory_space<semaphore_mem>>)
    %dma_start3A_80 = arith.constant 6 : i32
    %dma_start3A_81 = arith.constant 0 : i32
    %dma_start3A_82 = arith.constant 6 : i32
    %dma_start3A_83 = arith.constant 0 : i32
    %dma_start3A_84 = arith.constant 0 : i32
    %dma_start3A_85 = tpu.memref_slice %arg6[%dma_start3A_81, %dma_start3A_82, %dma_start3A_83, %dma_start3A_84] : memref<4x8x56x64xf32, #tpu.memory_space<vmem>> -> memref<1x1x56x64xf32, #tpu.memory_space<vmem>>
    %dma_start3A_86 = tpu.memref_squeeze %dma_start3A_85 : memref<1x1x56x64xf32, #tpu.memory_space<vmem>> -> memref<56x64xf32, #tpu.memory_space<vmem>>
    %dma_start3A_87 = arith.constant 0 : i32
    %dma_start3A_88 = tpu.memref_slice %arg5[%dma_start3A_80, %dma_start3A_87] : memref<128x56xi32, #tpu.memory_space<vmem>> -> memref<1x56xi32, #tpu.memory_space<vmem>>
    %dma_start3A_89 = tpu.memref_squeeze %dma_start3A_88 : memref<1x56xi32, #tpu.memory_space<vmem>> -> memref<56xi32, #tpu.memory_space<vmem>>
    %dma_start3A_90 = arith.constant 0 : i32
    %dma_start3A_91 = arith.constant 0 : i32
    %dma_start3A_92 = tpu.memref_slice %arg3[%dma_start3A_90, %dma_start3A_91] : memref<100000x64xf32, #tpu.memory_space<hbm>> -> memref<100000x64xf32, #tpu.memory_space<hbm>>
    tpu.enqueue_indirect_dma source(%dma_start3A_92 : memref<100000x64xf32, #tpu.memory_space<hbm>>) target(%dma_start3A_86 : memref<56x64xf32, #tpu.memory_space<vmem>>) offsets(%dma_start3A_89 : memref<56xi32, #tpu.memory_space<vmem>>) semaphore(%arg7 : memref<!tpu.dma_semaphore, #tpu.memory_space<semaphore_mem>>)
    %dma_start3A_93 = arith.constant 7 : i32
    %dma_start3A_94 = arith.constant 0 : i32
    %dma_start3A_95 = arith.constant 7 : i32
    %dma_start3A_96 = arith.constant 0 : i32
    %dma_start3A_97 = arith.constant 0 : i32
    %dma_start3A_98 = tpu.memref_slice %arg6[%dma_start3A_94, %dma_start3A_95, %dma_start3A_96, %dma_start3A_97] : memref<4x8x56x64xf32, #tpu.memory_space<vmem>> -> memref<1x1x56x64xf32, #tpu.memory_space<vmem>>
    %dma_start3A_99 = tpu.memref_squeeze %dma_start3A_98 : memref<1x1x56x64xf32, #tpu.memory_space<vmem>> -> memref<56x64xf32, #tpu.memory_space<vmem>>
    %dma_start3A_100 = arith.constant 0 : i32
    %dma_start3A_101 = tpu.memref_slice %arg5[%dma_start3A_93, %dma_start3A_100] : memref<128x56xi32, #tpu.memory_space<vmem>> -> memref<1x56xi32, #tpu.memory_space<vmem>>
    %dma_start3A_102 = tpu.memref_squeeze %dma_start3A_101 : memref<1x56xi32, #tpu.memory_space<vmem>> -> memref<56xi32, #tpu.memory_space<vmem>>
    %dma_start3A_103 = arith.constant 0 : i32
    %dma_start3A_104 = arith.constant 0 : i32
    %dma_start3A_105 = tpu.memref_slice %arg3[%dma_start3A_103, %dma_start3A_104] : memref<100000x64xf32, #tpu.memory_space<hbm>> -> memref<100000x64xf32, #tpu.memory_space<hbm>>
    tpu.enqueue_indirect_dma source(%dma_start3A_105 : memref<100000x64xf32, #tpu.memory_space<hbm>>) target(%dma_start3A_99 : memref<56x64xf32, #tpu.memory_space<vmem>>) offsets(%dma_start3A_102 : memref<56xi32, #tpu.memory_space<vmem>>) semaphore(%arg7 : memref<!tpu.dma_semaphore, #tpu.memory_space<semaphore_mem>>)
    %dma_start3A_106 = arith.constant 8 : i32
    %dma_start3A_107 = arith.constant 1 : i32
    %dma_start3A_108 = arith.constant 0 : i32
    %dma_start3A_109 = arith.constant 0 : i32
    %dma_start3A_110 = arith.constant 0 : i32
    %dma_start3A_111 = tpu.memref_slice %arg6[%dma_start3A_107, %dma_start3A_108, %dma_start3A_109, %dma_start3A_110] : memref<4x8x56x64xf32, #tpu.memory_space<vmem>> -> memref<1x1x56x64xf32, #tpu.memory_space<vmem>>
    %dma_start3A_112 = tpu.memref_squeeze %dma_start3A_111 : memref<1x1x56x64xf32, #tpu.memory_space<vmem>> -> memref<56x64xf32, #tpu.memory_space<vmem>>
    %dma_start3A_113 = arith.constant 0 : i32
    %dma_start3A_114 = tpu.memref_slice %arg5[%dma_start3A_106, %dma_start3A_113] : memref<128x56xi32, #tpu.memory_space<vmem>> -> memref<1x56xi32, #tpu.memory_space<vmem>>
    %dma_start3A_115 = tpu.memref_squeeze %dma_start3A_114 : memref<1x56xi32, #tpu.memory_space<vmem>> -> memref<56xi32, #tpu.memory_space<vmem>>
    %dma_start3A_116 = arith.constant 0 : i32
    %dma_start3A_117 = arith.constant 0 : i32
    %dma_start3A_118 = tpu.memref_slice %arg3[%dma_start3A_116, %dma_start3A_117] : memref<100000x64xf32, #tpu.memory_space<hbm>> -> memref<100000x64xf32, #tpu.memory_space<hbm>>
    tpu.enqueue_indirect_dma source(%dma_start3A_118 : memref<100000x64xf32, #tpu.memory_space<hbm>>) target(%dma_start3A_112 : memref<56x64xf32, #tpu.memory_space<vmem>>) offsets(%dma_start3A_115 : memref<56xi32, #tpu.memory_space<vmem>>) semaphore(%arg7 : memref<!tpu.dma_semaphore, #tpu.memory_space<semaphore_mem>>)
    %dma_start3A_119 = arith.constant 9 : i32
    %dma_start3A_120 = arith.constant 1 : i32
    %dma_start3A_121 = arith.constant 1 : i32
    %dma_start3A_122 = arith.constant 0 : i32
    %dma_start3A_123 = arith.constant 0 : i32
    %dma_start3A_124 = tpu.memref_slice %arg6[%dma_start3A_120, %dma_start3A_121, %dma_start3A_122, %dma_start3A_123] : memref<4x8x56x64xf32, #tpu.memory_space<vmem>> -> memref<1x1x56x64xf32, #tpu.memory_space<vmem>>
    %dma_start3A_125 = tpu.memref_squeeze %dma_start3A_124 : memref<1x1x56x64xf32, #tpu.memory_space<vmem>> -> memref<56x64xf32, #tpu.memory_space<vmem>>
    %dma_start3A_126 = arith.constant 0 : i32
    %dma_start3A_127 = tpu.memref_slice %arg5[%dma_start3A_119, %dma_start3A_126] : memref<128x56xi32, #tpu.memory_space<vmem>> -> memref<1x56xi32, #tpu.memory_space<vmem>>
    %dma_start3A_128 = tpu.memref_squeeze %dma_start3A_127 : memref<1x56xi32, #tpu.memory_space<vmem>> -> memref<56xi32, #tpu.memory_space<vmem>>
    %dma_start3A_129 = arith.constant 0 : i32
    %dma_start3A_130 = arith.constant 0 : i32
    %dma_start3A_131 = tpu.memref_slice %arg3[%dma_start3A_129, %dma_start3A_130] : memref<100000x64xf32, #tpu.memory_space<hbm>> -> memref<100000x64xf32, #tpu.memory_space<hbm>>
    tpu.enqueue_indirect_dma source(%dma_start3A_131 : memref<100000x64xf32, #tpu.memory_space<hbm>>) target(%dma_start3A_125 : memref<56x64xf32, #tpu.memory_space<vmem>>) offsets(%dma_start3A_128 : memref<56xi32, #tpu.memory_space<vmem>>) semaphore(%arg7 : memref<!tpu.dma_semaphore, #tpu.memory_space<semaphore_mem>>)
    %dma_start3A_132 = arith.constant 10 : i32
    %dma_start3A_133 = arith.constant 1 : i32
    %dma_start3A_134 = arith.constant 2 : i32
    %dma_start3A_135 = arith.constant 0 : i32
    %dma_start3A_136 = arith.constant 0 : i32
    %dma_start3A_137 = tpu.memref_slice %arg6[%dma_start3A_133, %dma_start3A_134, %dma_start3A_135, %dma_start3A_136] : memref<4x8x56x64xf32, #tpu.memory_space<vmem>> -> memref<1x1x56x64xf32, #tpu.memory_space<vmem>>
    %dma_start3A_138 = tpu.memref_squeeze %dma_start3A_137 : memref<1x1x56x64xf32, #tpu.memory_space<vmem>> -> memref<56x64xf32, #tpu.memory_space<vmem>>
    %dma_start3A_139 = arith.constant 0 : i32
    %dma_start3A_140 = tpu.memref_slice %arg5[%dma_start3A_132, %dma_start3A_139] : memref<128x56xi32, #tpu.memory_space<vmem>> -> memref<1x56xi32, #tpu.memory_space<vmem>>
    %dma_start3A_141 = tpu.memref_squeeze %dma_start3A_140 : memref<1x56xi32, #tpu.memory_space<vmem>> -> memref<56xi32, #tpu.memory_space<vmem>>
    %dma_start3A_142 = arith.constant 0 : i32
    %dma_start3A_143 = arith.constant 0 : i32
    %dma_start3A_144 = tpu.memref_slice %arg3[%dma_start3A_142, %dma_start3A_143] : memref<100000x64xf32, #tpu.memory_space<hbm>> -> memref<100000x64xf32, #tpu.memory_space<hbm>>
    tpu.enqueue_indirect_dma source(%dma_start3A_144 : memref<100000x64xf32, #tpu.memory_space<hbm>>) target(%dma_start3A_138 : memref<56x64xf32, #tpu.memory_space<vmem>>) offsets(%dma_start3A_141 : memref<56xi32, #tpu.memory_space<vmem>>) semaphore(%arg7 : memref<!tpu.dma_semaphore, #tpu.memory_space<semaphore_mem>>)
    %dma_start3A_145 = arith.constant 11 : i32
    %dma_start3A_146 = arith.constant 1 : i32
    %dma_start3A_147 = arith.constant 3 : i32
    %dma_start3A_148 = arith.constant 0 : i32
    %dma_start3A_149 = arith.constant 0 : i32
    %dma_start3A_150 = tpu.memref_slice %arg6[%dma_start3A_146, %dma_start3A_147, %dma_start3A_148, %dma_start3A_149] : memref<4x8x56x64xf32, #tpu.memory_space<vmem>> -> memref<1x1x56x64xf32, #tpu.memory_space<vmem>>
    %dma_start3A_151 = tpu.memref_squeeze %dma_start3A_150 : memref<1x1x56x64xf32, #tpu.memory_space<vmem>> -> memref<56x64xf32, #tpu.memory_space<vmem>>
    %dma_start3A_152 = arith.constant 0 : i32
    %dma_start3A_153 = tpu.memref_slice %arg5[%dma_start3A_145, %dma_start3A_152] : memref<128x56xi32, #tpu.memory_space<vmem>> -> memref<1x56xi32, #tpu.memory_space<vmem>>
    %dma_start3A_154 = tpu.memref_squeeze %dma_start3A_153 : memref<1x56xi32, #tpu.memory_space<vmem>> -> memref<56xi32, #tpu.memory_space<vmem>>
    %dma_start3A_155 = arith.constant 0 : i32
    %dma_start3A_156 = arith.constant 0 : i32
    %dma_start3A_157 = tpu.memref_slice %arg3[%dma_start3A_155, %dma_start3A_156] : memref<100000x64xf32, #tpu.memory_space<hbm>> -> memref<100000x64xf32, #tpu.memory_space<hbm>>
    tpu.enqueue_indirect_dma source(%dma_start3A_157 : memref<100000x64xf32, #tpu.memory_space<hbm>>) target(%dma_start3A_151 : memref<56x64xf32, #tpu.memory_space<vmem>>) offsets(%dma_start3A_154 : memref<56xi32, #tpu.memory_space<vmem>>) semaphore(%arg7 : memref<!tpu.dma_semaphore, #tpu.memory_space<semaphore_mem>>)
    %dma_start3A_158 = arith.constant 12 : i32
    %dma_start3A_159 = arith.constant 1 : i32
    %dma_start3A_160 = arith.constant 4 : i32
    %dma_start3A_161 = arith.constant 0 : i32
    %dma_start3A_162 = arith.constant 0 : i32
    %dma_start3A_163 = tpu.memref_slice %arg6[%dma_start3A_159, %dma_start3A_160, %dma_start3A_161, %dma_start3A_162] : memref<4x8x56x64xf32, #tpu.memory_space<vmem>> -> memref<1x1x56x64xf32, #tpu.memory_space<vmem>>
    %dma_start3A_164 = tpu.memref_squeeze %dma_start3A_163 : memref<1x1x56x64xf32, #tpu.memory_space<vmem>> -> memref<56x64xf32, #tpu.memory_space<vmem>>
    %dma_start3A_165 = arith.constant 0 : i32
    %dma_start3A_166 = tpu.memref_slice %arg5[%dma_start3A_158, %dma_start3A_165] : memref<128x56xi32, #tpu.memory_space<vmem>> -> memref<1x56xi32, #tpu.memory_space<vmem>>
    %dma_start3A_167 = tpu.memref_squeeze %dma_start3A_166 : memref<1x56xi32, #tpu.memory_space<vmem>> -> memref<56xi32, #tpu.memory_space<vmem>>
    %dma_start3A_168 = arith.constant 0 : i32
    %dma_start3A_169 = arith.constant 0 : i32
    %dma_start3A_170 = tpu.memref_slice %arg3[%dma_start3A_168, %dma_start3A_169] : memref<100000x64xf32, #tpu.memory_space<hbm>> -> memref<100000x64xf32, #tpu.memory_space<hbm>>
    tpu.enqueue_indirect_dma source(%dma_start3A_170 : memref<100000x64xf32, #tpu.memory_space<hbm>>) target(%dma_start3A_164 : memref<56x64xf32, #tpu.memory_space<vmem>>) offsets(%dma_start3A_167 : memref<56xi32, #tpu.memory_space<vmem>>) semaphore(%arg7 : memref<!tpu.dma_semaphore, #tpu.memory_space<semaphore_mem>>)
    %dma_start3A_171 = arith.constant 13 : i32
    %dma_start3A_172 = arith.constant 1 : i32
    %dma_start3A_173 = arith.constant 5 : i32
    %dma_start3A_174 = arith.constant 0 : i32
    %dma_start3A_175 = arith.constant 0 : i32
    %dma_start3A_176 = tpu.memref_slice %arg6[%dma_start3A_172, %dma_start3A_173, %dma_start3A_174, %dma_start3A_175] : memref<4x8x56x64xf32, #tpu.memory_space<vmem>> -> memref<1x1x56x64xf32, #tpu.memory_space<vmem>>
    %dma_start3A_177 = tpu.memref_squeeze %dma_start3A_176 : memref<1x1x56x64xf32, #tpu.memory_space<vmem>> -> memref<56x64xf32, #tpu.memory_space<vmem>>
    %dma_start3A_178 = arith.constant 0 : i32
    %dma_start3A_179 = tpu.memref_slice %arg5[%dma_start3A_171, %dma_start3A_178] : memref<128x56xi32, #tpu.memory_space<vmem>> -> memref<1x56xi32, #tpu.memory_space<vmem>>
    %dma_start3A_180 = tpu.memref_squeeze %dma_start3A_179 : memref<1x56xi32, #tpu.memory_space<vmem>> -> memref<56xi32, #tpu.memory_space<vmem>>
    %dma_start3A_181 = arith.constant 0 : i32
    %dma_start3A_182 = arith.constant 0 : i32
    %dma_start3A_183 = tpu.memref_slice %arg3[%dma_start3A_181, %dma_start3A_182] : memref<100000x64xf32, #tpu.memory_space<hbm>> -> memref<100000x64xf32, #tpu.memory_space<hbm>>
    tpu.enqueue_indirect_dma source(%dma_start3A_183 : memref<100000x64xf32, #tpu.memory_space<hbm>>) target(%dma_start3A_177 : memref<56x64xf32, #tpu.memory_space<vmem>>) offsets(%dma_start3A_180 : memref<56xi32, #tpu.memory_space<vmem>>) semaphore(%arg7 : memref<!tpu.dma_semaphore, #tpu.memory_space<semaphore_mem>>)
    %dma_start3A_184 = arith.constant 14 : i32
    %dma_start3A_185 = arith.constant 1 : i32
    %dma_start3A_186 = arith.constant 6 : i32
    %dma_start3A_187 = arith.constant 0 : i32
    %dma_start3A_188 = arith.constant 0 : i32
    %dma_start3A_189 = tpu.memref_slice %arg6[%dma_start3A_185, %dma_start3A_186, %dma_start3A_187, %dma_start3A_188] : memref<4x8x56x64xf32, #tpu.memory_space<vmem>> -> memref<1x1x56x64xf32, #tpu.memory_space<vmem>>
    %dma_start3A_190 = tpu.memref_squeeze %dma_start3A_189 : memref<1x1x56x64xf32, #tpu.memory_space<vmem>> -> memref<56x64xf32, #tpu.memory_space<vmem>>
    %dma_start3A_191 = arith.constant 0 : i32
    %dma_start3A_192 = tpu.memref_slice %arg5[%dma_start3A_184, %dma_start3A_191] : memref<128x56xi32, #tpu.memory_space<vmem>> -> memref<1x56xi32, #tpu.memory_space<vmem>>
    %dma_start3A_193 = tpu.memref_squeeze %dma_start3A_192 : memref<1x56xi32, #tpu.memory_space<vmem>> -> memref<56xi32, #tpu.memory_space<vmem>>
    %dma_start3A_194 = arith.constant 0 : i32
    %dma_start3A_195 = arith.constant 0 : i32
    %dma_start3A_196 = tpu.memref_slice %arg3[%dma_start3A_194, %dma_start3A_195] : memref<100000x64xf32, #tpu.memory_space<hbm>> -> memref<100000x64xf32, #tpu.memory_space<hbm>>
    tpu.enqueue_indirect_dma source(%dma_start3A_196 : memref<100000x64xf32, #tpu.memory_space<hbm>>) target(%dma_start3A_190 : memref<56x64xf32, #tpu.memory_space<vmem>>) offsets(%dma_start3A_193 : memref<56xi32, #tpu.memory_space<vmem>>) semaphore(%arg7 : memref<!tpu.dma_semaphore, #tpu.memory_space<semaphore_mem>>)
    %dma_start3A_197 = arith.constant 15 : i32
    %dma_start3A_198 = arith.constant 1 : i32
    %dma_start3A_199 = arith.constant 7 : i32
    %dma_start3A_200 = arith.constant 0 : i32
    %dma_start3A_201 = arith.constant 0 : i32
    %dma_start3A_202 = tpu.memref_slice %arg6[%dma_start3A_198, %dma_start3A_199, %dma_start3A_200, %dma_start3A_201] : memref<4x8x56x64xf32, #tpu.memory_space<vmem>> -> memref<1x1x56x64xf32, #tpu.memory_space<vmem>>
    %dma_start3A_203 = tpu.memref_squeeze %dma_start3A_202 : memref<1x1x56x64xf32, #tpu.memory_space<vmem>> -> memref<56x64xf32, #tpu.memory_space<vmem>>
    %dma_start3A_204 = arith.constant 0 : i32
    %dma_start3A_205 = tpu.memref_slice %arg5[%dma_start3A_197, %dma_start3A_204] : memref<128x56xi32, #tpu.memory_space<vmem>> -> memref<1x56xi32, #tpu.memory_space<vmem>>
    %dma_start3A_206 = tpu.memref_squeeze %dma_start3A_205 : memref<1x56xi32, #tpu.memory_space<vmem>> -> memref<56xi32, #tpu.memory_space<vmem>>
    %dma_start3A_207 = arith.constant 0 : i32
    %dma_start3A_208 = arith.constant 0 : i32
    %dma_start3A_209 = tpu.memref_slice %arg3[%dma_start3A_207, %dma_start3A_208] : memref<100000x64xf32, #tpu.memory_space<hbm>> -> memref<100000x64xf32, #tpu.memory_space<hbm>>
    tpu.enqueue_indirect_dma source(%dma_start3A_209 : memref<100000x64xf32, #tpu.memory_space<hbm>>) target(%dma_start3A_203 : memref<56x64xf32, #tpu.memory_space<vmem>>) offsets(%dma_start3A_206 : memref<56xi32, #tpu.memory_space<vmem>>) semaphore(%arg7 : memref<!tpu.dma_semaphore, #tpu.memory_space<semaphore_mem>>)
    %dma_start3A_210 = arith.constant 16 : i32
    %dma_start3A_211 = arith.constant 2 : i32
    %dma_start3A_212 = arith.constant 0 : i32
    %dma_start3A_213 = arith.constant 0 : i32
    %dma_start3A_214 = arith.constant 0 : i32
    %dma_start3A_215 = tpu.memref_slice %arg6[%dma_start3A_211, %dma_start3A_212, %dma_start3A_213, %dma_start3A_214] : memref<4x8x56x64xf32, #tpu.memory_space<vmem>> -> memref<1x1x56x64xf32, #tpu.memory_space<vmem>>
    %dma_start3A_216 = tpu.memref_squeeze %dma_start3A_215 : memref<1x1x56x64xf32, #tpu.memory_space<vmem>> -> memref<56x64xf32, #tpu.memory_space<vmem>>
    %dma_start3A_217 = arith.constant 0 : i32
    %dma_start3A_218 = tpu.memref_slice %arg5[%dma_start3A_210, %dma_start3A_217] : memref<128x56xi32, #tpu.memory_space<vmem>> -> memref<1x56xi32, #tpu.memory_space<vmem>>
    %dma_start3A_219 = tpu.memref_squeeze %dma_start3A_218 : memref<1x56xi32, #tpu.memory_space<vmem>> -> memref<56xi32, #tpu.memory_space<vmem>>
    %dma_start3A_220 = arith.constant 0 : i32
    %dma_start3A_221 = arith.constant 0 : i32
    %dma_start3A_222 = tpu.memref_slice %arg3[%dma_start3A_220, %dma_start3A_221] : memref<100000x64xf32, #tpu.memory_space<hbm>> -> memref<100000x64xf32, #tpu.memory_space<hbm>>
    tpu.enqueue_indirect_dma source(%dma_start3A_222 : memref<100000x64xf32, #tpu.memory_space<hbm>>) target(%dma_start3A_216 : memref<56x64xf32, #tpu.memory_space<vmem>>) offsets(%dma_start3A_219 : memref<56xi32, #tpu.memory_space<vmem>>) semaphore(%arg7 : memref<!tpu.dma_semaphore, #tpu.memory_space<semaphore_mem>>)
    %dma_start3A_223 = arith.constant 17 : i32
    %dma_start3A_224 = arith.constant 2 : i32
    %dma_start3A_225 = arith.constant 1 : i32
    %dma_start3A_226 = arith.constant 0 : i32
    %dma_start3A_227 = arith.constant 0 : i32
    %dma_start3A_228 = tpu.memref_slice %arg6[%dma_start3A_224, %dma_start3A_225, %dma_start3A_226, %dma_start3A_227] : memref<4x8x56x64xf32, #tpu.memory_space<vmem>> -> memref<1x1x56x64xf32, #tpu.memory_space<vmem>>
    %dma_start3A_229 = tpu.memref_squeeze %dma_start3A_228 : memref<1x1x56x64xf32, #tpu.memory_space<vmem>> -> memref<56x64xf32, #tpu.memory_space<vmem>>
    %dma_start3A_230 = arith.constant 0 : i32
    %dma_start3A_231 = tpu.memref_slice %arg5[%dma_start3A_223, %dma_start3A_230] : memref<128x56xi32, #tpu.memory_space<vmem>> -> memref<1x56xi32, #tpu.memory_space<vmem>>
    %dma_start3A_232 = tpu.memref_squeeze %dma_start3A_231 : memref<1x56xi32, #tpu.memory_space<vmem>> -> memref<56xi32, #tpu.memory_space<vmem>>
    %dma_start3A_233 = arith.constant 0 : i32
    %dma_start3A_234 = arith.constant 0 : i32
    %dma_start3A_235 = tpu.memref_slice %arg3[%dma_start3A_233, %dma_start3A_234] : memref<100000x64xf32, #tpu.memory_space<hbm>> -> memref<100000x64xf32, #tpu.memory_space<hbm>>
    tpu.enqueue_indirect_dma source(%dma_start3A_235 : memref<100000x64xf32, #tpu.memory_space<hbm>>) target(%dma_start3A_229 : memref<56x64xf32, #tpu.memory_space<vmem>>) offsets(%dma_start3A_232 : memref<56xi32, #tpu.memory_space<vmem>>) semaphore(%arg7 : memref<!tpu.dma_semaphore, #tpu.memory_space<semaphore_mem>>)
    %dma_start3A_236 = arith.constant 18 : i32
    %dma_start3A_237 = arith.constant 2 : i32
    %dma_start3A_238 = arith.constant 2 : i32
    %dma_start3A_239 = arith.constant 0 : i32
    %dma_start3A_240 = arith.constant 0 : i32
    %dma_start3A_241 = tpu.memref_slice %arg6[%dma_start3A_237, %dma_start3A_238, %dma_start3A_239, %dma_start3A_240] : memref<4x8x56x64xf32, #tpu.memory_space<vmem>> -> memref<1x1x56x64xf32, #tpu.memory_space<vmem>>
    %dma_start3A_242 = tpu.memref_squeeze %dma_start3A_241 : memref<1x1x56x64xf32, #tpu.memory_space<vmem>> -> memref<56x64xf32, #tpu.memory_space<vmem>>
    %dma_start3A_243 = arith.constant 0 : i32
    %dma_start3A_244 = tpu.memref_slice %arg5[%dma_start3A_236, %dma_start3A_243] : memref<128x56xi32, #tpu.memory_space<vmem>> -> memref<1x56xi32, #tpu.memory_space<vmem>>
    %dma_start3A_245 = tpu.memref_squeeze %dma_start3A_244 : memref<1x56xi32, #tpu.memory_space<vmem>> -> memref<56xi32, #tpu.memory_space<vmem>>
    %dma_start3A_246 = arith.constant 0 : i32
    %dma_start3A_247 = arith.constant 0 : i32
    %dma_start3A_248 = tpu.memref_slice %arg3[%dma_start3A_246, %dma_start3A_247] : memref<100000x64xf32, #tpu.memory_space<hbm>> -> memref<100000x64xf32, #tpu.memory_space<hbm>>
    tpu.enqueue_indirect_dma source(%dma_start3A_248 : memref<100000x64xf32, #tpu.memory_space<hbm>>) target(%dma_start3A_242 : memref<56x64xf32, #tpu.memory_space<vmem>>) offsets(%dma_start3A_245 : memref<56xi32, #tpu.memory_space<vmem>>) semaphore(%arg7 : memref<!tpu.dma_semaphore, #tpu.memory_space<semaphore_mem>>)
    %dma_start3A_249 = arith.constant 19 : i32
    %dma_start3A_250 = arith.constant 2 : i32
    %dma_start3A_251 = arith.constant 3 : i32
    %dma_start3A_252 = arith.constant 0 : i32
    %dma_start3A_253 = arith.constant 0 : i32
    %dma_start3A_254 = tpu.memref_slice %arg6[%dma_start3A_250, %dma_start3A_251, %dma_start3A_252, %dma_start3A_253] : memref<4x8x56x64xf32, #tpu.memory_space<vmem>> -> memref<1x1x56x64xf32, #tpu.memory_space<vmem>>
    %dma_start3A_255 = tpu.memref_squeeze %dma_start3A_254 : memref<1x1x56x64xf32, #tpu.memory_space<vmem>> -> memref<56x64xf32, #tpu.memory_space<vmem>>
    %dma_start3A_256 = arith.constant 0 : i32
    %dma_start3A_257 = tpu.memref_slice %arg5[%dma_start3A_249, %dma_start3A_256] : memref<128x56xi32, #tpu.memory_space<vmem>> -> memref<1x56xi32, #tpu.memory_space<vmem>>
    %dma_start3A_258 = tpu.memref_squeeze %dma_start3A_257 : memref<1x56xi32, #tpu.memory_space<vmem>> -> memref<56xi32, #tpu.memory_space<vmem>>
    %dma_start3A_259 = arith.constant 0 : i32
    %dma_start3A_260 = arith.constant 0 : i32
    %dma_start3A_261 = tpu.memref_slice %arg3[%dma_start3A_259, %dma_start3A_260] : memref<100000x64xf32, #tpu.memory_space<hbm>> -> memref<100000x64xf32, #tpu.memory_space<hbm>>
    tpu.enqueue_indirect_dma source(%dma_start3A_261 : memref<100000x64xf32, #tpu.memory_space<hbm>>) target(%dma_start3A_255 : memref<56x64xf32, #tpu.memory_space<vmem>>) offsets(%dma_start3A_258 : memref<56xi32, #tpu.memory_space<vmem>>) semaphore(%arg7 : memref<!tpu.dma_semaphore, #tpu.memory_space<semaphore_mem>>)
    %dma_start3A_262 = arith.constant 20 : i32
    %dma_start3A_263 = arith.constant 2 : i32
    %dma_start3A_264 = arith.constant 4 : i32
    %dma_start3A_265 = arith.constant 0 : i32
    %dma_start3A_266 = arith.constant 0 : i32
    %dma_start3A_267 = tpu.memref_slice %arg6[%dma_start3A_263, %dma_start3A_264, %dma_start3A_265, %dma_start3A_266] : memref<4x8x56x64xf32, #tpu.memory_space<vmem>> -> memref<1x1x56x64xf32, #tpu.memory_space<vmem>>
    %dma_start3A_268 = tpu.memref_squeeze %dma_start3A_267 : memref<1x1x56x64xf32, #tpu.memory_space<vmem>> -> memref<56x64xf32, #tpu.memory_space<vmem>>
    %dma_start3A_269 = arith.constant 0 : i32
    %dma_start3A_270 = tpu.memref_slice %arg5[%dma_start3A_262, %dma_start3A_269] : memref<128x56xi32, #tpu.memory_space<vmem>> -> memref<1x56xi32, #tpu.memory_space<vmem>>
    %dma_start3A_271 = tpu.memref_squeeze %dma_start3A_270 : memref<1x56xi32, #tpu.memory_space<vmem>> -> memref<56xi32, #tpu.memory_space<vmem>>
    %dma_start3A_272 = arith.constant 0 : i32
    %dma_start3A_273 = arith.constant 0 : i32
    %dma_start3A_274 = tpu.memref_slice %arg3[%dma_start3A_272, %dma_start3A_273] : memref<100000x64xf32, #tpu.memory_space<hbm>> -> memref<100000x64xf32, #tpu.memory_space<hbm>>
    tpu.enqueue_indirect_dma source(%dma_start3A_274 : memref<100000x64xf32, #tpu.memory_space<hbm>>) target(%dma_start3A_268 : memref<56x64xf32, #tpu.memory_space<vmem>>) offsets(%dma_start3A_271 : memref<56xi32, #tpu.memory_space<vmem>>) semaphore(%arg7 : memref<!tpu.dma_semaphore, #tpu.memory_space<semaphore_mem>>)
    %dma_start3A_275 = arith.constant 21 : i32
    %dma_start3A_276 = arith.constant 2 : i32
    %dma_start3A_277 = arith.constant 5 : i32
    %dma_start3A_278 = arith.constant 0 : i32
    %dma_start3A_279 = arith.constant 0 : i32
    %dma_start3A_280 = tpu.memref_slice %arg6[%dma_start3A_276, %dma_start3A_277, %dma_start3A_278, %dma_start3A_279] : memref<4x8x56x64xf32, #tpu.memory_space<vmem>> -> memref<1x1x56x64xf32, #tpu.memory_space<vmem>>
    %dma_start3A_281 = tpu.memref_squeeze %dma_start3A_280 : memref<1x1x56x64xf32, #tpu.memory_space<vmem>> -> memref<56x64xf32, #tpu.memory_space<vmem>>
    %dma_start3A_282 = arith.constant 0 : i32
    %dma_start3A_283 = tpu.memref_slice %arg5[%dma_start3A_275, %dma_start3A_282] : memref<128x56xi32, #tpu.memory_space<vmem>> -> memref<1x56xi32, #tpu.memory_space<vmem>>
    %dma_start3A_284 = tpu.memref_squeeze %dma_start3A_283 : memref<1x56xi32, #tpu.memory_space<vmem>> -> memref<56xi32, #tpu.memory_space<vmem>>
    %dma_start3A_285 = arith.constant 0 : i32
    %dma_start3A_286 = arith.constant 0 : i32
    %dma_start3A_287 = tpu.memref_slice %arg3[%dma_start3A_285, %dma_start3A_286] : memref<100000x64xf32, #tpu.memory_space<hbm>> -> memref<100000x64xf32, #tpu.memory_space<hbm>>
    tpu.enqueue_indirect_dma source(%dma_start3A_287 : memref<100000x64xf32, #tpu.memory_space<hbm>>) target(%dma_start3A_281 : memref<56x64xf32, #tpu.memory_space<vmem>>) offsets(%dma_start3A_284 : memref<56xi32, #tpu.memory_space<vmem>>) semaphore(%arg7 : memref<!tpu.dma_semaphore, #tpu.memory_space<semaphore_mem>>)
    %dma_start3A_288 = arith.constant 22 : i32
    %dma_start3A_289 = arith.constant 2 : i32
    %dma_start3A_290 = arith.constant 6 : i32
    %dma_start3A_291 = arith.constant 0 : i32
    %dma_start3A_292 = arith.constant 0 : i32
    %dma_start3A_293 = tpu.memref_slice %arg6[%dma_start3A_289, %dma_start3A_290, %dma_start3A_291, %dma_start3A_292] : memref<4x8x56x64xf32, #tpu.memory_space<vmem>> -> memref<1x1x56x64xf32, #tpu.memory_space<vmem>>
    %dma_start3A_294 = tpu.memref_squeeze %dma_start3A_293 : memref<1x1x56x64xf32, #tpu.memory_space<vmem>> -> memref<56x64xf32, #tpu.memory_space<vmem>>
    %dma_start3A_295 = arith.constant 0 : i32
    %dma_start3A_296 = tpu.memref_slice %arg5[%dma_start3A_288, %dma_start3A_295] : memref<128x56xi32, #tpu.memory_space<vmem>> -> memref<1x56xi32, #tpu.memory_space<vmem>>
    %dma_start3A_297 = tpu.memref_squeeze %dma_start3A_296 : memref<1x56xi32, #tpu.memory_space<vmem>> -> memref<56xi32, #tpu.memory_space<vmem>>
    %dma_start3A_298 = arith.constant 0 : i32
    %dma_start3A_299 = arith.constant 0 : i32
    %dma_start3A_300 = tpu.memref_slice %arg3[%dma_start3A_298, %dma_start3A_299] : memref<100000x64xf32, #tpu.memory_space<hbm>> -> memref<100000x64xf32, #tpu.memory_space<hbm>>
    tpu.enqueue_indirect_dma source(%dma_start3A_300 : memref<100000x64xf32, #tpu.memory_space<hbm>>) target(%dma_start3A_294 : memref<56x64xf32, #tpu.memory_space<vmem>>) offsets(%dma_start3A_297 : memref<56xi32, #tpu.memory_space<vmem>>) semaphore(%arg7 : memref<!tpu.dma_semaphore, #tpu.memory_space<semaphore_mem>>)
    %dma_start3A_301 = arith.constant 23 : i32
    %dma_start3A_302 = arith.constant 2 : i32
    %dma_start3A_303 = arith.constant 7 : i32
    %dma_start3A_304 = arith.constant 0 : i32
    %dma_start3A_305 = arith.constant 0 : i32
    %dma_start3A_306 = tpu.memref_slice %arg6[%dma_start3A_302, %dma_start3A_303, %dma_start3A_304, %dma_start3A_305] : memref<4x8x56x64xf32, #tpu.memory_space<vmem>> -> memref<1x1x56x64xf32, #tpu.memory_space<vmem>>
    %dma_start3A_307 = tpu.memref_squeeze %dma_start3A_306 : memref<1x1x56x64xf32, #tpu.memory_space<vmem>> -> memref<56x64xf32, #tpu.memory_space<vmem>>
    %dma_start3A_308 = arith.constant 0 : i32
    %dma_start3A_309 = tpu.memref_slice %arg5[%dma_start3A_301, %dma_start3A_308] : memref<128x56xi32, #tpu.memory_space<vmem>> -> memref<1x56xi32, #tpu.memory_space<vmem>>
    %dma_start3A_310 = tpu.memref_squeeze %dma_start3A_309 : memref<1x56xi32, #tpu.memory_space<vmem>> -> memref<56xi32, #tpu.memory_space<vmem>>
    %dma_start3A_311 = arith.constant 0 : i32
    %dma_start3A_312 = arith.constant 0 : i32
    %dma_start3A_313 = tpu.memref_slice %arg3[%dma_start3A_311, %dma_start3A_312] : memref<100000x64xf32, #tpu.memory_space<hbm>> -> memref<100000x64xf32, #tpu.memory_space<hbm>>
    tpu.enqueue_indirect_dma source(%dma_start3A_313 : memref<100000x64xf32, #tpu.memory_space<hbm>>) target(%dma_start3A_307 : memref<56x64xf32, #tpu.memory_space<vmem>>) offsets(%dma_start3A_310 : memref<56xi32, #tpu.memory_space<vmem>>) semaphore(%arg7 : memref<!tpu.dma_semaphore, #tpu.memory_space<semaphore_mem>>)
    %scan3A = arith.constant 0 : i32
    %scan3A_314 = arith.constant 16 : i32
    %scan3A_315 = arith.addi %scan3A, %scan3A_314 : i32
    %scan3A_316 = arith.constant 1 : i32
    scf.for %scan3A_336 = %scan3A to %scan3A_315 step %scan3A_316  : i32 {
      %mul3A_337 = arith.constant 1 : i32
      %mul3A_338 = arith.muli %scan3A_336, %mul3A_337 : i32
      %add3A_339 = arith.constant 0 : i32
      %add3A_340 = arith.addi %add3A_339, %mul3A_338 : i32
      %rem3A = arith.constant 4 : i32
      %rem3A_341 = arith.remsi %add3A_340, %rem3A : i32
      %mul3A_342 = arith.constant 8 : i32
      %mul3A_343 = arith.muli %add3A_340, %mul3A_342 : i32
      %add3A_344 = arith.constant 0 : i32
      %add3A_345 = arith.addi %mul3A_343, %add3A_344 : i32
      %dma_wait3A_346 = arith.constant 0 : i32
      %dma_wait3A_347 = arith.constant 0 : i32
      %dma_wait3A_348 = arith.constant 0 : i32
      %dma_wait3A_349 = tpu.memref_slice %arg6[%rem3A_341, %dma_wait3A_346, %dma_wait3A_347, %dma_wait3A_348] : memref<4x8x56x64xf32, #tpu.memory_space<vmem>> -> memref<1x1x56x64xf32, #tpu.memory_space<vmem>>
      %dma_wait3A_350 = tpu.memref_squeeze %dma_wait3A_349 : memref<1x1x56x64xf32, #tpu.memory_space<vmem>> -> memref<56x64xf32, #tpu.memory_space<vmem>>
      %dma_wait3A_351 = arith.constant 0 : i32
      %dma_wait3A_352 = tpu.memref_slice %arg5[%add3A_345, %dma_wait3A_351] : memref<128x56xi32, #tpu.memory_space<vmem>> -> memref<1x56xi32, #tpu.memory_space<vmem>>
      %dma_wait3A_353 = tpu.memref_squeeze %dma_wait3A_352 : memref<1x56xi32, #tpu.memory_space<vmem>> -> memref<56xi32, #tpu.memory_space<vmem>>
      %dma_wait3A_354 = arith.constant 0 : i32
      %dma_wait3A_355 = arith.constant 0 : i32
      %dma_wait3A_356 = tpu.memref_slice %arg3[%dma_wait3A_354, %dma_wait3A_355] : memref<100000x64xf32, #tpu.memory_space<hbm>> -> memref<100000x64xf32, #tpu.memory_space<hbm>>
      tpu.wait_indirect_dma semaphore(%arg7 : memref<!tpu.dma_semaphore, #tpu.memory_space<semaphore_mem>>) src(%dma_wait3A_356 : memref<100000x64xf32, #tpu.memory_space<hbm>>) dst(%dma_wait3A_350 : memref<56x64xf32, #tpu.memory_space<vmem>>)
      %mul3A_357 = arith.constant 8 : i32
      %mul3A_358 = arith.muli %add3A_340, %mul3A_357 : i32
      %add3A_359 = arith.constant 1 : i32
      %add3A_360 = arith.addi %mul3A_358, %add3A_359 : i32
      %dma_wait3A_361 = arith.constant 1 : i32
      %dma_wait3A_362 = arith.constant 0 : i32
      %dma_wait3A_363 = arith.constant 0 : i32
      %dma_wait3A_364 = tpu.memref_slice %arg6[%rem3A_341, %dma_wait3A_361, %dma_wait3A_362, %dma_wait3A_363] : memref<4x8x56x64xf32, #tpu.memory_space<vmem>> -> memref<1x1x56x64xf32, #tpu.memory_space<vmem>>
      %dma_wait3A_365 = tpu.memref_squeeze %dma_wait3A_364 : memref<1x1x56x64xf32, #tpu.memory_space<vmem>> -> memref<56x64xf32, #tpu.memory_space<vmem>>
      %dma_wait3A_366 = arith.constant 0 : i32
      %dma_wait3A_367 = tpu.memref_slice %arg5[%add3A_360, %dma_wait3A_366] : memref<128x56xi32, #tpu.memory_space<vmem>> -> memref<1x56xi32, #tpu.memory_space<vmem>>
      %dma_wait3A_368 = tpu.memref_squeeze %dma_wait3A_367 : memref<1x56xi32, #tpu.memory_space<vmem>> -> memref<56xi32, #tpu.memory_space<vmem>>
      %dma_wait3A_369 = arith.constant 0 : i32
      %dma_wait3A_370 = arith.constant 0 : i32
      %dma_wait3A_371 = tpu.memref_slice %arg3[%dma_wait3A_369, %dma_wait3A_370] : memref<100000x64xf32, #tpu.memory_space<hbm>> -> memref<100000x64xf32, #tpu.memory_space<hbm>>
      tpu.wait_indirect_dma semaphore(%arg7 : memref<!tpu.dma_semaphore, #tpu.memory_space<semaphore_mem>>) src(%dma_wait3A_371 : memref<100000x64xf32, #tpu.memory_space<hbm>>) dst(%dma_wait3A_365 : memref<56x64xf32, #tpu.memory_space<vmem>>)
      %mul3A_372 = arith.constant 8 : i32
      %mul3A_373 = arith.muli %add3A_340, %mul3A_372 : i32
      %add3A_374 = arith.constant 2 : i32
      %add3A_375 = arith.addi %mul3A_373, %add3A_374 : i32
      %dma_wait3A_376 = arith.constant 2 : i32
      %dma_wait3A_377 = arith.constant 0 : i32
      %dma_wait3A_378 = arith.constant 0 : i32
      %dma_wait3A_379 = tpu.memref_slice %arg6[%rem3A_341, %dma_wait3A_376, %dma_wait3A_377, %dma_wait3A_378] : memref<4x8x56x64xf32, #tpu.memory_space<vmem>> -> memref<1x1x56x64xf32, #tpu.memory_space<vmem>>
      %dma_wait3A_380 = tpu.memref_squeeze %dma_wait3A_379 : memref<1x1x56x64xf32, #tpu.memory_space<vmem>> -> memref<56x64xf32, #tpu.memory_space<vmem>>
      %dma_wait3A_381 = arith.constant 0 : i32
      %dma_wait3A_382 = tpu.memref_slice %arg5[%add3A_375, %dma_wait3A_381] : memref<128x56xi32, #tpu.memory_space<vmem>> -> memref<1x56xi32, #tpu.memory_space<vmem>>
      %dma_wait3A_383 = tpu.memref_squeeze %dma_wait3A_382 : memref<1x56xi32, #tpu.memory_space<vmem>> -> memref<56xi32, #tpu.memory_space<vmem>>
      %dma_wait3A_384 = arith.constant 0 : i32
      %dma_wait3A_385 = arith.constant 0 : i32
      %dma_wait3A_386 = tpu.memref_slice %arg3[%dma_wait3A_384, %dma_wait3A_385] : memref<100000x64xf32, #tpu.memory_space<hbm>> -> memref<100000x64xf32, #tpu.memory_space<hbm>>
      tpu.wait_indirect_dma semaphore(%arg7 : memref<!tpu.dma_semaphore, #tpu.memory_space<semaphore_mem>>) src(%dma_wait3A_386 : memref<100000x64xf32, #tpu.memory_space<hbm>>) dst(%dma_wait3A_380 : memref<56x64xf32, #tpu.memory_space<vmem>>)
      %mul3A_387 = arith.constant 8 : i32
      %mul3A_388 = arith.muli %add3A_340, %mul3A_387 : i32
      %add3A_389 = arith.constant 3 : i32
      %add3A_390 = arith.addi %mul3A_388, %add3A_389 : i32
      %dma_wait3A_391 = arith.constant 3 : i32
      %dma_wait3A_392 = arith.constant 0 : i32
      %dma_wait3A_393 = arith.constant 0 : i32
      %dma_wait3A_394 = tpu.memref_slice %arg6[%rem3A_341, %dma_wait3A_391, %dma_wait3A_392, %dma_wait3A_393] : memref<4x8x56x64xf32, #tpu.memory_space<vmem>> -> memref<1x1x56x64xf32, #tpu.memory_space<vmem>>
      %dma_wait3A_395 = tpu.memref_squeeze %dma_wait3A_394 : memref<1x1x56x64xf32, #tpu.memory_space<vmem>> -> memref<56x64xf32, #tpu.memory_space<vmem>>
      %dma_wait3A_396 = arith.constant 0 : i32
      %dma_wait3A_397 = tpu.memref_slice %arg5[%add3A_390, %dma_wait3A_396] : memref<128x56xi32, #tpu.memory_space<vmem>> -> memref<1x56xi32, #tpu.memory_space<vmem>>
      %dma_wait3A_398 = tpu.memref_squeeze %dma_wait3A_397 : memref<1x56xi32, #tpu.memory_space<vmem>> -> memref<56xi32, #tpu.memory_space<vmem>>
      %dma_wait3A_399 = arith.constant 0 : i32
      %dma_wait3A_400 = arith.constant 0 : i32
      %dma_wait3A_401 = tpu.memref_slice %arg3[%dma_wait3A_399, %dma_wait3A_400] : memref<100000x64xf32, #tpu.memory_space<hbm>> -> memref<100000x64xf32, #tpu.memory_space<hbm>>
      tpu.wait_indirect_dma semaphore(%arg7 : memref<!tpu.dma_semaphore, #tpu.memory_space<semaphore_mem>>) src(%dma_wait3A_401 : memref<100000x64xf32, #tpu.memory_space<hbm>>) dst(%dma_wait3A_395 : memref<56x64xf32, #tpu.memory_space<vmem>>)
      %mul3A_402 = arith.constant 8 : i32
      %mul3A_403 = arith.muli %add3A_340, %mul3A_402 : i32
      %add3A_404 = arith.constant 4 : i32
      %add3A_405 = arith.addi %mul3A_403, %add3A_404 : i32
      %dma_wait3A_406 = arith.constant 4 : i32
      %dma_wait3A_407 = arith.constant 0 : i32
      %dma_wait3A_408 = arith.constant 0 : i32
      %dma_wait3A_409 = tpu.memref_slice %arg6[%rem3A_341, %dma_wait3A_406, %dma_wait3A_407, %dma_wait3A_408] : memref<4x8x56x64xf32, #tpu.memory_space<vmem>> -> memref<1x1x56x64xf32, #tpu.memory_space<vmem>>
      %dma_wait3A_410 = tpu.memref_squeeze %dma_wait3A_409 : memref<1x1x56x64xf32, #tpu.memory_space<vmem>> -> memref<56x64xf32, #tpu.memory_space<vmem>>
      %dma_wait3A_411 = arith.constant 0 : i32
      %dma_wait3A_412 = tpu.memref_slice %arg5[%add3A_405, %dma_wait3A_411] : memref<128x56xi32, #tpu.memory_space<vmem>> -> memref<1x56xi32, #tpu.memory_space<vmem>>
      %dma_wait3A_413 = tpu.memref_squeeze %dma_wait3A_412 : memref<1x56xi32, #tpu.memory_space<vmem>> -> memref<56xi32, #tpu.memory_space<vmem>>
      %dma_wait3A_414 = arith.constant 0 : i32
      %dma_wait3A_415 = arith.constant 0 : i32
      %dma_wait3A_416 = tpu.memref_slice %arg3[%dma_wait3A_414, %dma_wait3A_415] : memref<100000x64xf32, #tpu.memory_space<hbm>> -> memref<100000x64xf32, #tpu.memory_space<hbm>>
      tpu.wait_indirect_dma semaphore(%arg7 : memref<!tpu.dma_semaphore, #tpu.memory_space<semaphore_mem>>) src(%dma_wait3A_416 : memref<100000x64xf32, #tpu.memory_space<hbm>>) dst(%dma_wait3A_410 : memref<56x64xf32, #tpu.memory_space<vmem>>)
      %mul3A_417 = arith.constant 8 : i32
      %mul3A_418 = arith.muli %add3A_340, %mul3A_417 : i32
      %add3A_419 = arith.constant 5 : i32
      %add3A_420 = arith.addi %mul3A_418, %add3A_419 : i32
      %dma_wait3A_421 = arith.constant 5 : i32
      %dma_wait3A_422 = arith.constant 0 : i32
      %dma_wait3A_423 = arith.constant 0 : i32
      %dma_wait3A_424 = tpu.memref_slice %arg6[%rem3A_341, %dma_wait3A_421, %dma_wait3A_422, %dma_wait3A_423] : memref<4x8x56x64xf32, #tpu.memory_space<vmem>> -> memref<1x1x56x64xf32, #tpu.memory_space<vmem>>
      %dma_wait3A_425 = tpu.memref_squeeze %dma_wait3A_424 : memref<1x1x56x64xf32, #tpu.memory_space<vmem>> -> memref<56x64xf32, #tpu.memory_space<vmem>>
      %dma_wait3A_426 = arith.constant 0 : i32
      %dma_wait3A_427 = tpu.memref_slice %arg5[%add3A_420, %dma_wait3A_426] : memref<128x56xi32, #tpu.memory_space<vmem>> -> memref<1x56xi32, #tpu.memory_space<vmem>>
      %dma_wait3A_428 = tpu.memref_squeeze %dma_wait3A_427 : memref<1x56xi32, #tpu.memory_space<vmem>> -> memref<56xi32, #tpu.memory_space<vmem>>
      %dma_wait3A_429 = arith.constant 0 : i32
      %dma_wait3A_430 = arith.constant 0 : i32
      %dma_wait3A_431 = tpu.memref_slice %arg3[%dma_wait3A_429, %dma_wait3A_430] : memref<100000x64xf32, #tpu.memory_space<hbm>> -> memref<100000x64xf32, #tpu.memory_space<hbm>>
      tpu.wait_indirect_dma semaphore(%arg7 : memref<!tpu.dma_semaphore, #tpu.memory_space<semaphore_mem>>) src(%dma_wait3A_431 : memref<100000x64xf32, #tpu.memory_space<hbm>>) dst(%dma_wait3A_425 : memref<56x64xf32, #tpu.memory_space<vmem>>)
      %mul3A_432 = arith.constant 8 : i32
      %mul3A_433 = arith.muli %add3A_340, %mul3A_432 : i32
      %add3A_434 = arith.constant 6 : i32
      %add3A_435 = arith.addi %mul3A_433, %add3A_434 : i32
      %dma_wait3A_436 = arith.constant 6 : i32
      %dma_wait3A_437 = arith.constant 0 : i32
      %dma_wait3A_438 = arith.constant 0 : i32
      %dma_wait3A_439 = tpu.memref_slice %arg6[%rem3A_341, %dma_wait3A_436, %dma_wait3A_437, %dma_wait3A_438] : memref<4x8x56x64xf32, #tpu.memory_space<vmem>> -> memref<1x1x56x64xf32, #tpu.memory_space<vmem>>
      %dma_wait3A_440 = tpu.memref_squeeze %dma_wait3A_439 : memref<1x1x56x64xf32, #tpu.memory_space<vmem>> -> memref<56x64xf32, #tpu.memory_space<vmem>>
      %dma_wait3A_441 = arith.constant 0 : i32
      %dma_wait3A_442 = tpu.memref_slice %arg5[%add3A_435, %dma_wait3A_441] : memref<128x56xi32, #tpu.memory_space<vmem>> -> memref<1x56xi32, #tpu.memory_space<vmem>>
      %dma_wait3A_443 = tpu.memref_squeeze %dma_wait3A_442 : memref<1x56xi32, #tpu.memory_space<vmem>> -> memref<56xi32, #tpu.memory_space<vmem>>
      %dma_wait3A_444 = arith.constant 0 : i32
      %dma_wait3A_445 = arith.constant 0 : i32
      %dma_wait3A_446 = tpu.memref_slice %arg3[%dma_wait3A_444, %dma_wait3A_445] : memref<100000x64xf32, #tpu.memory_space<hbm>> -> memref<100000x64xf32, #tpu.memory_space<hbm>>
      tpu.wait_indirect_dma semaphore(%arg7 : memref<!tpu.dma_semaphore, #tpu.memory_space<semaphore_mem>>) src(%dma_wait3A_446 : memref<100000x64xf32, #tpu.memory_space<hbm>>) dst(%dma_wait3A_440 : memref<56x64xf32, #tpu.memory_space<vmem>>)
      %mul3A_447 = arith.constant 8 : i32
      %mul3A_448 = arith.muli %add3A_340, %mul3A_447 : i32
      %add3A_449 = arith.constant 7 : i32
      %add3A_450 = arith.addi %mul3A_448, %add3A_449 : i32
      %dma_wait3A_451 = arith.constant 7 : i32
      %dma_wait3A_452 = arith.constant 0 : i32
      %dma_wait3A_453 = arith.constant 0 : i32
      %dma_wait3A_454 = tpu.memref_slice %arg6[%rem3A_341, %dma_wait3A_451, %dma_wait3A_452, %dma_wait3A_453] : memref<4x8x56x64xf32, #tpu.memory_space<vmem>> -> memref<1x1x56x64xf32, #tpu.memory_space<vmem>>
      %dma_wait3A_455 = tpu.memref_squeeze %dma_wait3A_454 : memref<1x1x56x64xf32, #tpu.memory_space<vmem>> -> memref<56x64xf32, #tpu.memory_space<vmem>>
      %dma_wait3A_456 = arith.constant 0 : i32
      %dma_wait3A_457 = tpu.memref_slice %arg5[%add3A_450, %dma_wait3A_456] : memref<128x56xi32, #tpu.memory_space<vmem>> -> memref<1x56xi32, #tpu.memory_space<vmem>>
      %dma_wait3A_458 = tpu.memref_squeeze %dma_wait3A_457 : memref<1x56xi32, #tpu.memory_space<vmem>> -> memref<56xi32, #tpu.memory_space<vmem>>
      %dma_wait3A_459 = arith.constant 0 : i32
      %dma_wait3A_460 = arith.constant 0 : i32
      %dma_wait3A_461 = tpu.memref_slice %arg3[%dma_wait3A_459, %dma_wait3A_460] : memref<100000x64xf32, #tpu.memory_space<hbm>> -> memref<100000x64xf32, #tpu.memory_space<hbm>>
      tpu.wait_indirect_dma semaphore(%arg7 : memref<!tpu.dma_semaphore, #tpu.memory_space<semaphore_mem>>) src(%dma_wait3A_461 : memref<100000x64xf32, #tpu.memory_space<hbm>>) dst(%dma_wait3A_455 : memref<56x64xf32, #tpu.memory_space<vmem>>)
      %ge3A = arith.constant 1 : i32
      %ge3A_462 = arith.cmpi sge, %add3A_340, %ge3A : i32
      %convert_element_type3A = arith.extui %ge3A_462 : i1 to i32
      %cond3A = arith.constant 0 : i32
      %cond3A_463 = arith.cmpi ne, %convert_element_type3A, %cond3A : i32
      scf.if %cond3A_463 {
        %sub3A_490 = arith.constant 1 : i32
        %sub3A_491 = arith.subi %add3A_340, %sub3A_490 : i32
        %sub3A_492 = arith.constant 1 : i32
        %sub3A_493 = arith.subi %add3A_340, %sub3A_492 : i32
        %rem3A_494 = arith.constant 4 : i32
        %rem3A_495 = arith.remsi %sub3A_493, %rem3A_494 : i32
        %mul3A_496 = arith.constant 8 : i32
        %mul3A_497 = arith.muli %sub3A_491, %mul3A_496 : i32
        %add3A_498 = arith.addi %mul3A_2, %mul3A_497 : i32
        %dma_wait3A_499 = arith.constant 0 : i32
        %dma_wait3A_500 = arith.constant 0 : i32
        %dma_wait3A_501 = arith.constant 0 : i32
        %dma_wait3A_502 = tpu.memref_slice %arg6[%rem3A_495, %dma_wait3A_499, %dma_wait3A_500, %dma_wait3A_501] : memref<4x8x56x64xf32, #tpu.memory_space<vmem>> -> memref<1x8x56x64xf32, #tpu.memory_space<vmem>>
        %dma_wait3A_503 = tpu.memref_squeeze %dma_wait3A_502 : memref<1x8x56x64xf32, #tpu.memory_space<vmem>> -> memref<8x56x64xf32, #tpu.memory_space<vmem>>
        %dma_wait3A_504 = arith.constant 0 : i32
        %dma_wait3A_505 = arith.constant 0 : i32
        %dma_wait3A_506 = tpu.memref_slice %arg4[%add3A_498, %dma_wait3A_504, %dma_wait3A_505] : memref<4096x56x128xf32, #tpu.memory_space<hbm>> -> memref<8x56x64xf32, #tpu.memory_space<hbm>>
        %dma_wait3A_507 = arith.constant 0 : i32
        %dma_wait3A_508 = arith.constant 0 : i32
        %dma_wait3A_509 = tpu.memref_slice %arg4[%add3A_498, %dma_wait3A_507, %dma_wait3A_508] : memref<4096x56x128xf32, #tpu.memory_space<hbm>> -> memref<8x56x64xf32, #tpu.memory_space<hbm>>
        %dma_wait3A_510 = arith.constant 0 : i32
        %dma_wait3A_511 = arith.constant 0 : i32
        %dma_wait3A_512 = arith.constant 0 : i32
        %dma_wait3A_513 = tpu.memref_slice %arg6[%rem3A_495, %dma_wait3A_510, %dma_wait3A_511, %dma_wait3A_512] : memref<4x8x56x64xf32, #tpu.memory_space<vmem>> -> memref<1x8x56x64xf32, #tpu.memory_space<vmem>>
        %dma_wait3A_514 = tpu.memref_squeeze %dma_wait3A_513 : memref<1x8x56x64xf32, #tpu.memory_space<vmem>> -> memref<8x56x64xf32, #tpu.memory_space<vmem>>
        tpu.wait_dma2 semaphore(%arg8 : memref<!tpu.dma_semaphore, #tpu.memory_space<semaphore_mem>>) src(%dma_wait3A_514 : memref<8x56x64xf32, #tpu.memory_space<vmem>>) dst(%dma_wait3A_509 : memref<8x56x64xf32, #tpu.memory_space<hbm>>)
      } else {
      }
      %add3A_464 = arith.constant 4 : i32
      %add3A_465 = arith.addi %add3A_340, %add3A_464 : i32
      %sub3A = arith.constant 1 : i32
      %sub3A_466 = arith.subi %add3A_465, %sub3A : i32
      %lt3A = arith.constant 16 : i32
      %lt3A_467 = arith.cmpi slt, %sub3A_466, %lt3A : i32
      %convert_element_type3A_468 = arith.extui %lt3A_467 : i1 to i32
      %cond3A_469 = arith.constant 0 : i32
      %cond3A_470 = arith.cmpi ne, %convert_element_type3A_468, %cond3A_469 : i32
      scf.if %cond3A_470 {
        %rem3A_490 = arith.constant 4 : i32
        %rem3A_491 = arith.remsi %sub3A_466, %rem3A_490 : i32
        %mul3A_492 = arith.constant 8 : i32
        %mul3A_493 = arith.muli %sub3A_466, %mul3A_492 : i32
        %add3A_494 = arith.constant 0 : i32
        %add3A_495 = arith.addi %mul3A_493, %add3A_494 : i32
        %dma_start3A_496 = arith.constant 0 : i32
        %dma_start3A_497 = arith.constant 0 : i32
        %dma_start3A_498 = arith.constant 0 : i32
        %dma_start3A_499 = tpu.memref_slice %arg6[%rem3A_491, %dma_start3A_496, %dma_start3A_497, %dma_start3A_498] : memref<4x8x56x64xf32, #tpu.memory_space<vmem>> -> memref<1x1x56x64xf32, #tpu.memory_space<vmem>>
        %dma_start3A_500 = tpu.memref_squeeze %dma_start3A_499 : memref<1x1x56x64xf32, #tpu.memory_space<vmem>> -> memref<56x64xf32, #tpu.memory_space<vmem>>
        %dma_start3A_501 = arith.constant 0 : i32
        %dma_start3A_502 = tpu.memref_slice %arg5[%add3A_495, %dma_start3A_501] : memref<128x56xi32, #tpu.memory_space<vmem>> -> memref<1x56xi32, #tpu.memory_space<vmem>>
        %dma_start3A_503 = tpu.memref_squeeze %dma_start3A_502 : memref<1x56xi32, #tpu.memory_space<vmem>> -> memref<56xi32, #tpu.memory_space<vmem>>
        %dma_start3A_504 = arith.constant 0 : i32
        %dma_start3A_505 = arith.constant 0 : i32
        %dma_start3A_506 = tpu.memref_slice %arg3[%dma_start3A_504, %dma_start3A_505] : memref<100000x64xf32, #tpu.memory_space<hbm>> -> memref<100000x64xf32, #tpu.memory_space<hbm>>
        tpu.enqueue_indirect_dma source(%dma_start3A_506 : memref<100000x64xf32, #tpu.memory_space<hbm>>) target(%dma_start3A_500 : memref<56x64xf32, #tpu.memory_space<vmem>>) offsets(%dma_start3A_503 : memref<56xi32, #tpu.memory_space<vmem>>) semaphore(%arg7 : memref<!tpu.dma_semaphore, #tpu.memory_space<semaphore_mem>>)
        %mul3A_507 = arith.constant 8 : i32
        %mul3A_508 = arith.muli %sub3A_466, %mul3A_507 : i32
        %add3A_509 = arith.constant 1 : i32
        %add3A_510 = arith.addi %mul3A_508, %add3A_509 : i32
        %dma_start3A_511 = arith.constant 1 : i32
        %dma_start3A_512 = arith.constant 0 : i32
        %dma_start3A_513 = arith.constant 0 : i32
        %dma_start3A_514 = tpu.memref_slice %arg6[%rem3A_491, %dma_start3A_511, %dma_start3A_512, %dma_start3A_513] : memref<4x8x56x64xf32, #tpu.memory_space<vmem>> -> memref<1x1x56x64xf32, #tpu.memory_space<vmem>>
        %dma_start3A_515 = tpu.memref_squeeze %dma_start3A_514 : memref<1x1x56x64xf32, #tpu.memory_space<vmem>> -> memref<56x64xf32, #tpu.memory_space<vmem>>
        %dma_start3A_516 = arith.constant 0 : i32
        %dma_start3A_517 = tpu.memref_slice %arg5[%add3A_510, %dma_start3A_516] : memref<128x56xi32, #tpu.memory_space<vmem>> -> memref<1x56xi32, #tpu.memory_space<vmem>>
        %dma_start3A_518 = tpu.memref_squeeze %dma_start3A_517 : memref<1x56xi32, #tpu.memory_space<vmem>> -> memref<56xi32, #tpu.memory_space<vmem>>
        %dma_start3A_519 = arith.constant 0 : i32
        %dma_start3A_520 = arith.constant 0 : i32
        %dma_start3A_521 = tpu.memref_slice %arg3[%dma_start3A_519, %dma_start3A_520] : memref<100000x64xf32, #tpu.memory_space<hbm>> -> memref<100000x64xf32, #tpu.memory_space<hbm>>
        tpu.enqueue_indirect_dma source(%dma_start3A_521 : memref<100000x64xf32, #tpu.memory_space<hbm>>) target(%dma_start3A_515 : memref<56x64xf32, #tpu.memory_space<vmem>>) offsets(%dma_start3A_518 : memref<56xi32, #tpu.memory_space<vmem>>) semaphore(%arg7 : memref<!tpu.dma_semaphore, #tpu.memory_space<semaphore_mem>>)
        %mul3A_522 = arith.constant 8 : i32
        %mul3A_523 = arith.muli %sub3A_466, %mul3A_522 : i32
        %add3A_524 = arith.constant 2 : i32
        %add3A_525 = arith.addi %mul3A_523, %add3A_524 : i32
        %dma_start3A_526 = arith.constant 2 : i32
        %dma_start3A_527 = arith.constant 0 : i32
        %dma_start3A_528 = arith.constant 0 : i32
        %dma_start3A_529 = tpu.memref_slice %arg6[%rem3A_491, %dma_start3A_526, %dma_start3A_527, %dma_start3A_528] : memref<4x8x56x64xf32, #tpu.memory_space<vmem>> -> memref<1x1x56x64xf32, #tpu.memory_space<vmem>>
        %dma_start3A_530 = tpu.memref_squeeze %dma_start3A_529 : memref<1x1x56x64xf32, #tpu.memory_space<vmem>> -> memref<56x64xf32, #tpu.memory_space<vmem>>
        %dma_start3A_531 = arith.constant 0 : i32
        %dma_start3A_532 = tpu.memref_slice %arg5[%add3A_525, %dma_start3A_531] : memref<128x56xi32, #tpu.memory_space<vmem>> -> memref<1x56xi32, #tpu.memory_space<vmem>>
        %dma_start3A_533 = tpu.memref_squeeze %dma_start3A_532 : memref<1x56xi32, #tpu.memory_space<vmem>> -> memref<56xi32, #tpu.memory_space<vmem>>
        %dma_start3A_534 = arith.constant 0 : i32
        %dma_start3A_535 = arith.constant 0 : i32
        %dma_start3A_536 = tpu.memref_slice %arg3[%dma_start3A_534, %dma_start3A_535] : memref<100000x64xf32, #tpu.memory_space<hbm>> -> memref<100000x64xf32, #tpu.memory_space<hbm>>
        tpu.enqueue_indirect_dma source(%dma_start3A_536 : memref<100000x64xf32, #tpu.memory_space<hbm>>) target(%dma_start3A_530 : memref<56x64xf32, #tpu.memory_space<vmem>>) offsets(%dma_start3A_533 : memref<56xi32, #tpu.memory_space<vmem>>) semaphore(%arg7 : memref<!tpu.dma_semaphore, #tpu.memory_space<semaphore_mem>>)
        %mul3A_537 = arith.constant 8 : i32
        %mul3A_538 = arith.muli %sub3A_466, %mul3A_537 : i32
        %add3A_539 = arith.constant 3 : i32
        %add3A_540 = arith.addi %mul3A_538, %add3A_539 : i32
        %dma_start3A_541 = arith.constant 3 : i32
        %dma_start3A_542 = arith.constant 0 : i32
        %dma_start3A_543 = arith.constant 0 : i32
        %dma_start3A_544 = tpu.memref_slice %arg6[%rem3A_491, %dma_start3A_541, %dma_start3A_542, %dma_start3A_543] : memref<4x8x56x64xf32, #tpu.memory_space<vmem>> -> memref<1x1x56x64xf32, #tpu.memory_space<vmem>>
        %dma_start3A_545 = tpu.memref_squeeze %dma_start3A_544 : memref<1x1x56x64xf32, #tpu.memory_space<vmem>> -> memref<56x64xf32, #tpu.memory_space<vmem>>
        %dma_start3A_546 = arith.constant 0 : i32
        %dma_start3A_547 = tpu.memref_slice %arg5[%add3A_540, %dma_start3A_546] : memref<128x56xi32, #tpu.memory_space<vmem>> -> memref<1x56xi32, #tpu.memory_space<vmem>>
        %dma_start3A_548 = tpu.memref_squeeze %dma_start3A_547 : memref<1x56xi32, #tpu.memory_space<vmem>> -> memref<56xi32, #tpu.memory_space<vmem>>
        %dma_start3A_549 = arith.constant 0 : i32
        %dma_start3A_550 = arith.constant 0 : i32
        %dma_start3A_551 = tpu.memref_slice %arg3[%dma_start3A_549, %dma_start3A_550] : memref<100000x64xf32, #tpu.memory_space<hbm>> -> memref<100000x64xf32, #tpu.memory_space<hbm>>
        tpu.enqueue_indirect_dma source(%dma_start3A_551 : memref<100000x64xf32, #tpu.memory_space<hbm>>) target(%dma_start3A_545 : memref<56x64xf32, #tpu.memory_space<vmem>>) offsets(%dma_start3A_548 : memref<56xi32, #tpu.memory_space<vmem>>) semaphore(%arg7 : memref<!tpu.dma_semaphore, #tpu.memory_space<semaphore_mem>>)
        %mul3A_552 = arith.constant 8 : i32
        %mul3A_553 = arith.muli %sub3A_466, %mul3A_552 : i32
        %add3A_554 = arith.constant 4 : i32
        %add3A_555 = arith.addi %mul3A_553, %add3A_554 : i32
        %dma_start3A_556 = arith.constant 4 : i32
        %dma_start3A_557 = arith.constant 0 : i32
        %dma_start3A_558 = arith.constant 0 : i32
        %dma_start3A_559 = tpu.memref_slice %arg6[%rem3A_491, %dma_start3A_556, %dma_start3A_557, %dma_start3A_558] : memref<4x8x56x64xf32, #tpu.memory_space<vmem>> -> memref<1x1x56x64xf32, #tpu.memory_space<vmem>>
        %dma_start3A_560 = tpu.memref_squeeze %dma_start3A_559 : memref<1x1x56x64xf32, #tpu.memory_space<vmem>> -> memref<56x64xf32, #tpu.memory_space<vmem>>
        %dma_start3A_561 = arith.constant 0 : i32
        %dma_start3A_562 = tpu.memref_slice %arg5[%add3A_555, %dma_start3A_561] : memref<128x56xi32, #tpu.memory_space<vmem>> -> memref<1x56xi32, #tpu.memory_space<vmem>>
        %dma_start3A_563 = tpu.memref_squeeze %dma_start3A_562 : memref<1x56xi32, #tpu.memory_space<vmem>> -> memref<56xi32, #tpu.memory_space<vmem>>
        %dma_start3A_564 = arith.constant 0 : i32
        %dma_start3A_565 = arith.constant 0 : i32
        %dma_start3A_566 = tpu.memref_slice %arg3[%dma_start3A_564, %dma_start3A_565] : memref<100000x64xf32, #tpu.memory_space<hbm>> -> memref<100000x64xf32, #tpu.memory_space<hbm>>
        tpu.enqueue_indirect_dma source(%dma_start3A_566 : memref<100000x64xf32, #tpu.memory_space<hbm>>) target(%dma_start3A_560 : memref<56x64xf32, #tpu.memory_space<vmem>>) offsets(%dma_start3A_563 : memref<56xi32, #tpu.memory_space<vmem>>) semaphore(%arg7 : memref<!tpu.dma_semaphore, #tpu.memory_space<semaphore_mem>>)
        %mul3A_567 = arith.constant 8 : i32
        %mul3A_568 = arith.muli %sub3A_466, %mul3A_567 : i32
        %add3A_569 = arith.constant 5 : i32
        %add3A_570 = arith.addi %mul3A_568, %add3A_569 : i32
        %dma_start3A_571 = arith.constant 5 : i32
        %dma_start3A_572 = arith.constant 0 : i32
        %dma_start3A_573 = arith.constant 0 : i32
        %dma_start3A_574 = tpu.memref_slice %arg6[%rem3A_491, %dma_start3A_571, %dma_start3A_572, %dma_start3A_573] : memref<4x8x56x64xf32, #tpu.memory_space<vmem>> -> memref<1x1x56x64xf32, #tpu.memory_space<vmem>>
        %dma_start3A_575 = tpu.memref_squeeze %dma_start3A_574 : memref<1x1x56x64xf32, #tpu.memory_space<vmem>> -> memref<56x64xf32, #tpu.memory_space<vmem>>
        %dma_start3A_576 = arith.constant 0 : i32
        %dma_start3A_577 = tpu.memref_slice %arg5[%add3A_570, %dma_start3A_576] : memref<128x56xi32, #tpu.memory_space<vmem>> -> memref<1x56xi32, #tpu.memory_space<vmem>>
        %dma_start3A_578 = tpu.memref_squeeze %dma_start3A_577 : memref<1x56xi32, #tpu.memory_space<vmem>> -> memref<56xi32, #tpu.memory_space<vmem>>
        %dma_start3A_579 = arith.constant 0 : i32
        %dma_start3A_580 = arith.constant 0 : i32
        %dma_start3A_581 = tpu.memref_slice %arg3[%dma_start3A_579, %dma_start3A_580] : memref<100000x64xf32, #tpu.memory_space<hbm>> -> memref<100000x64xf32, #tpu.memory_space<hbm>>
        tpu.enqueue_indirect_dma source(%dma_start3A_581 : memref<100000x64xf32, #tpu.memory_space<hbm>>) target(%dma_start3A_575 : memref<56x64xf32, #tpu.memory_space<vmem>>) offsets(%dma_start3A_578 : memref<56xi32, #tpu.memory_space<vmem>>) semaphore(%arg7 : memref<!tpu.dma_semaphore, #tpu.memory_space<semaphore_mem>>)
        %mul3A_582 = arith.constant 8 : i32
        %mul3A_583 = arith.muli %sub3A_466, %mul3A_582 : i32
        %add3A_584 = arith.constant 6 : i32
        %add3A_585 = arith.addi %mul3A_583, %add3A_584 : i32
        %dma_start3A_586 = arith.constant 6 : i32
        %dma_start3A_587 = arith.constant 0 : i32
        %dma_start3A_588 = arith.constant 0 : i32
        %dma_start3A_589 = tpu.memref_slice %arg6[%rem3A_491, %dma_start3A_586, %dma_start3A_587, %dma_start3A_588] : memref<4x8x56x64xf32, #tpu.memory_space<vmem>> -> memref<1x1x56x64xf32, #tpu.memory_space<vmem>>
        %dma_start3A_590 = tpu.memref_squeeze %dma_start3A_589 : memref<1x1x56x64xf32, #tpu.memory_space<vmem>> -> memref<56x64xf32, #tpu.memory_space<vmem>>
        %dma_start3A_591 = arith.constant 0 : i32
        %dma_start3A_592 = tpu.memref_slice %arg5[%add3A_585, %dma_start3A_591] : memref<128x56xi32, #tpu.memory_space<vmem>> -> memref<1x56xi32, #tpu.memory_space<vmem>>
        %dma_start3A_593 = tpu.memref_squeeze %dma_start3A_592 : memref<1x56xi32, #tpu.memory_space<vmem>> -> memref<56xi32, #tpu.memory_space<vmem>>
        %dma_start3A_594 = arith.constant 0 : i32
        %dma_start3A_595 = arith.constant 0 : i32
        %dma_start3A_596 = tpu.memref_slice %arg3[%dma_start3A_594, %dma_start3A_595] : memref<100000x64xf32, #tpu.memory_space<hbm>> -> memref<100000x64xf32, #tpu.memory_space<hbm>>
        tpu.enqueue_indirect_dma source(%dma_start3A_596 : memref<100000x64xf32, #tpu.memory_space<hbm>>) target(%dma_start3A_590 : memref<56x64xf32, #tpu.memory_space<vmem>>) offsets(%dma_start3A_593 : memref<56xi32, #tpu.memory_space<vmem>>) semaphore(%arg7 : memref<!tpu.dma_semaphore, #tpu.memory_space<semaphore_mem>>)
        %mul3A_597 = arith.constant 8 : i32
        %mul3A_598 = arith.muli %sub3A_466, %mul3A_597 : i32
        %add3A_599 = arith.constant 7 : i32
        %add3A_600 = arith.addi %mul3A_598, %add3A_599 : i32
        %dma_start3A_601 = arith.constant 7 : i32
        %dma_start3A_602 = arith.constant 0 : i32
        %dma_start3A_603 = arith.constant 0 : i32
        %dma_start3A_604 = tpu.memref_slice %arg6[%rem3A_491, %dma_start3A_601, %dma_start3A_602, %dma_start3A_603] : memref<4x8x56x64xf32, #tpu.memory_space<vmem>> -> memref<1x1x56x64xf32, #tpu.memory_space<vmem>>
        %dma_start3A_605 = tpu.memref_squeeze %dma_start3A_604 : memref<1x1x56x64xf32, #tpu.memory_space<vmem>> -> memref<56x64xf32, #tpu.memory_space<vmem>>
        %dma_start3A_606 = arith.constant 0 : i32
        %dma_start3A_607 = tpu.memref_slice %arg5[%add3A_600, %dma_start3A_606] : memref<128x56xi32, #tpu.memory_space<vmem>> -> memref<1x56xi32, #tpu.memory_space<vmem>>
        %dma_start3A_608 = tpu.memref_squeeze %dma_start3A_607 : memref<1x56xi32, #tpu.memory_space<vmem>> -> memref<56xi32, #tpu.memory_space<vmem>>
        %dma_start3A_609 = arith.constant 0 : i32
        %dma_start3A_610 = arith.constant 0 : i32
        %dma_start3A_611 = tpu.memref_slice %arg3[%dma_start3A_609, %dma_start3A_610] : memref<100000x64xf32, #tpu.memory_space<hbm>> -> memref<100000x64xf32, #tpu.memory_space<hbm>>
        tpu.enqueue_indirect_dma source(%dma_start3A_611 : memref<100000x64xf32, #tpu.memory_space<hbm>>) target(%dma_start3A_605 : memref<56x64xf32, #tpu.memory_space<vmem>>) offsets(%dma_start3A_608 : memref<56xi32, #tpu.memory_space<vmem>>) semaphore(%arg7 : memref<!tpu.dma_semaphore, #tpu.memory_space<semaphore_mem>>)
      } else {
      }
      %mul3A_471 = arith.constant 8 : i32
      %mul3A_472 = arith.muli %add3A_340, %mul3A_471 : i32
      %add3A_473 = arith.addi %mul3A_2, %mul3A_472 : i32
      %dma_start3A_474 = arith.constant 0 : i32
      %dma_start3A_475 = arith.constant 0 : i32
      %dma_start3A_476 = arith.constant 0 : i32
      %dma_start3A_477 = tpu.memref_slice %arg6[%rem3A_341, %dma_start3A_474, %dma_start3A_475, %dma_start3A_476] : memref<4x8x56x64xf32, #tpu.memory_space<vmem>> -> memref<1x8x56x64xf32, #tpu.memory_space<vmem>>
      %dma_start3A_478 = tpu.memref_squeeze %dma_start3A_477 : memref<1x8x56x64xf32, #tpu.memory_space<vmem>> -> memref<8x56x64xf32, #tpu.memory_space<vmem>>
      %dma_start3A_479 = arith.constant 0 : i32
      %dma_start3A_480 = arith.constant 0 : i32
      %dma_start3A_481 = tpu.memref_slice %arg4[%add3A_473, %dma_start3A_479, %dma_start3A_480] : memref<4096x56x128xf32, #tpu.memory_space<hbm>> -> memref<8x56x64xf32, #tpu.memory_space<hbm>>
      %dma_start3A_482 = arith.constant 0 : i32
      %dma_start3A_483 = arith.constant 0 : i32
      %dma_start3A_484 = tpu.memref_slice %arg4[%add3A_473, %dma_start3A_482, %dma_start3A_483] : memref<4096x56x128xf32, #tpu.memory_space<hbm>> -> memref<8x56x64xf32, #tpu.memory_space<hbm>>
      %dma_start3A_485 = arith.constant 0 : i32
      %dma_start3A_486 = arith.constant 0 : i32
      %dma_start3A_487 = arith.constant 0 : i32
      %dma_start3A_488 = tpu.memref_slice %arg6[%rem3A_341, %dma_start3A_485, %dma_start3A_486, %dma_start3A_487] : memref<4x8x56x64xf32, #tpu.memory_space<vmem>> -> memref<1x8x56x64xf32, #tpu.memory_space<vmem>>
      %dma_start3A_489 = tpu.memref_squeeze %dma_start3A_488 : memref<1x8x56x64xf32, #tpu.memory_space<vmem>> -> memref<8x56x64xf32, #tpu.memory_space<vmem>>
      tpu.enqueue_dma source(%dma_start3A_489 : memref<8x56x64xf32, #tpu.memory_space<vmem>>) target(%dma_start3A_484 : memref<8x56x64xf32, #tpu.memory_space<hbm>>) target_semaphore(%arg8 : memref<!tpu.dma_semaphore, #tpu.memory_space<semaphore_mem>>)
    }
    %scan3A_317 = arith.constant 16 : i32
    %add3A_318 = arith.constant 120 : i32
    %add3A_319 = arith.addi %mul3A_2, %add3A_318 : i32
    %dma_wait3A = arith.constant 3 : i32
    %dma_wait3A_320 = arith.constant 0 : i32
    %dma_wait3A_321 = arith.constant 0 : i32
    %dma_wait3A_322 = arith.constant 0 : i32
    %dma_wait3A_323 = tpu.memref_slice %arg6[%dma_wait3A, %dma_wait3A_320, %dma_wait3A_321, %dma_wait3A_322] : memref<4x8x56x64xf32, #tpu.memory_space<vmem>> -> memref<1x8x56x64xf32, #tpu.memory_space<vmem>>
    %dma_wait3A_324 = tpu.memref_squeeze %dma_wait3A_323 : memref<1x8x56x64xf32, #tpu.memory_space<vmem>> -> memref<8x56x64xf32, #tpu.memory_space<vmem>>
    %dma_wait3A_325 = arith.constant 0 : i32
    %dma_wait3A_326 = arith.constant 0 : i32
    %dma_wait3A_327 = tpu.memref_slice %arg4[%add3A_319, %dma_wait3A_325, %dma_wait3A_326] : memref<4096x56x128xf32, #tpu.memory_space<hbm>> -> memref<8x56x64xf32, #tpu.memory_space<hbm>>
    %dma_wait3A_328 = arith.constant 0 : i32
    %dma_wait3A_329 = arith.constant 0 : i32
    %dma_wait3A_330 = tpu.memref_slice %arg4[%add3A_319, %dma_wait3A_328, %dma_wait3A_329] : memref<4096x56x128xf32, #tpu.memory_space<hbm>> -> memref<8x56x64xf32, #tpu.memory_space<hbm>>
    %dma_wait3A_331 = arith.constant 0 : i32
    %dma_wait3A_332 = arith.constant 0 : i32
    %dma_wait3A_333 = arith.constant 0 : i32
    %dma_wait3A_334 = tpu.memref_slice %arg6[%dma_wait3A, %dma_wait3A_331, %dma_wait3A_332, %dma_wait3A_333] : memref<4x8x56x64xf32, #tpu.memory_space<vmem>> -> memref<1x8x56x64xf32, #tpu.memory_space<vmem>>
    %dma_wait3A_335 = tpu.memref_squeeze %dma_wait3A_334 : memref<1x8x56x64xf32, #tpu.memory_space<vmem>> -> memref<8x56x64xf32, #tpu.memory_space<vmem>>
    tpu.wait_dma2 semaphore(%arg8 : memref<!tpu.dma_semaphore, #tpu.memory_space<semaphore_mem>>) src(%dma_wait3A_335 : memref<8x56x64xf32, #tpu.memory_space<vmem>>) dst(%dma_wait3A_330 : memref<8x56x64xf32, #tpu.memory_space<hbm>>)
    return
  }
}

</mosaic_0001>

<sc_bundles>
// kernel: kernel.3.cloned.1.call-start
scs
__scs_entry_jumppad:
0x0: {  	(pc) =	sbr.rel $0x88, $3  }
0x1: {  	(tag) =	ssettag $0x0;
	lr =	simm.s32 $0x1  }
0x2: {  	[smem:$0x3F9F] =	sst lr;
	_ =	strace $0xD0000000  }
0x3: {  	_ = 	snop  }
0x4: {  	_ = 	snop  }
0x5: {  	_ = 	snop  }
0x6: {  	_ = 	snop  }
0x7: {  	_ = 	snop  }
__scs_overlays_trampoline_lowered:
0x8: {  	[smem:$0x3FAE] =	sst s0  }
0x9: {  	[smem:$0x3FAF] =	sst s1  }
0xa: {  	[smem:$0x3FB0] =	sst s2  }
0xb: {  	[smem:$0x3FB1] =	sst s3  }
0xc: {  	[smem:$0x3FB2] =	sst s4  }
0xd: {  	[smem:$0x3FB3] =	sst s5  }
0xe: {  	[smem:$0x3FB4] =	sst s6  }
0xf: {  	[smem:$0x3FB5] =	sst s7  }
0x10: {  	[smem:$0x3FB6] =	sst s8  }
0x11: {  	[smem:$0x3FB7] =	sst s9;
	s0 =	simm.s32 @!p0 $0x0  }
0x12: {  	s1 =	sld [smem:$0x3F9D];
	s0 =	simm.s32 @p0 $0x1  }
0x13: {  	[smem:$0x3FB8] =	sst s0;
	s0 =	simm.s32 @!p1 $0x0  }
0x14: {  	s2 =	sld [smem:$0x3F9C];
	s0 =	simm.s32 @p1 $0x1  }
0x15: {  	[smem:$0x3FB9] =	sst s0;
	s0 =	simm.s32 @!p2 $0x0  }
0x16: {  	s3 =	sld [smem:$0x3FDB];
	s0 =	simm.s32 @p2 $0x1  }
0x17: {  	s4 =	simm.s32 $0x1BF5;
	[smem:$0x3FBB] =	sst s0  }
0x18: {  	s0 =	sld [smem:$0x3F9E];
	_ =	swait.ge [sflag:s4], $0x0  }
0x19: {  	s7 =	sld [smem:$0x3F9F]  }
0x1a: {  	s8 =	sadd.s32 $0xFFFFE003, lr  }
0x1b: {  	s9 =	sadd.s32 $0xFFFFFEF7, lr;
	s5 =	simm.s32 $0xFFFFFFFF;
	p2 =	slt.u32 s8, $0xFFFFF086  }
0x1c: {  	p1 =	slt.u32 s9, $0xF7A;
	s5 =	simm.s32 @!p2 $0x0  }
0x1d: {  	s5 =	simm.s32 @p1 $0x1;
	p0 =	seq.s32 s7, s2  }
0x1e: {  	s7 =	smul.u32 @!p0 $0xF7A, s2;
	p2 =	seq.s32 @!p0 s5, $0x0  }
0x1f: {  	s9 =	smul.u32 $0xF7A, s1;
	s8 =	simm.s32 @!p0 $0x1BF5;
	p2 =	por !p2, p0  }
0x20: {  	[sflag:s8] =	ssyncset.s32 @!p0 $0xFFFFF086;
	s6 =	sadd.s32 @!p0 s3, s7;
	s7 =	simm.s32 @!p0 $0x108  }
0x21: {  	s3 =	sadd.s32 s3, s9;
	s6 =	sadd.s32 @!p0 $0x88, s6;
	s7 =	simm.s32 @p2 $0x1082  }
0x22: {  	[simem:s7], [sflag:s8] =	dma.local @!p0 [hbm:s6], $0xF7A  }
0x23: {  	s9 =	sor.u32 $0xD0000000, s2;
	s6 =	simm.s32 $0x108;
	_ =	swait.ge @!p0 [sflag:s8], $0x0  }
0x24: {  	s3 =	sadd.s32 $0x88, s3;
	s6 =	simm.s32 @!p1 $0x1082;
	[sflag:s4] =	ssyncset.s32 $0xFFFFF086  }
0x25: {  	[simem:s6], [sflag:s4] =	dma.local [hbm:s3], $0xF7A  }
0x26: {  	[smem:$0x3F9F] =	sst s1;
	(tag) =	ssettag s2;
	_ =	strace s9  }
0x27: {  	s1 =	sld [smem:$0x3FAF]  }
0x28: {  	s2 =	sld [smem:$0x3FB0]  }
0x29: {  	s4 =	sld [smem:$0x3FB2]  }
0x2a: {  	p0 =	seq.s32 s5, $0x0;
	s5 =	sld [smem:$0x3FB3]  }
0x2b: {  	s6 =	sld [smem:$0x3FB4]  }
0x2c: {  	s7 =	sld [smem:$0x3FB5]  }
0x2d: {  	s3 =	simm.s32 $0x108;
	s8 =	sld [smem:$0x3FB6]  }
0x2e: {  	s3 =	simm.s32 @!p0 $0x1082;
	s9 =	sld [smem:$0x3FB7]  }
0x2f: {  	lr =	sadd.s32 s0, s3;
	s0 =	sld [smem:$0x3FAE]  }
0x30: {  	s3 =	sld [smem:$0x3FB1]  }
0x31: {  	[smem:$0x3FBA] =	sst s10  }
0x32: {  	s10 =	sld [smem:$0x3FB8];
	_ =	sdelay $0x3  }
0x33: {  	p0 =	seq.s32 s10, $0x1;
	s10 =	sld [smem:$0x3FBA];
	_ =	sdelay $0x3  }
0x34: {  	[smem:$0x3FBA] =	sst s10  }
0x35: {  	s10 =	sld [smem:$0x3FB9];
	_ =	sdelay $0x3  }
0x36: {  	p1 =	seq.s32 s10, $0x1;
	s10 =	sld [smem:$0x3FBA];
	_ =	sdelay $0x3  }
0x37: {  	[smem:$0x3FBA] =	sst s10  }
0x38: {  	s10 =	sld [smem:$0x3FBB]  }
0x39: {  	_ = 	snop;
	(pc) =	sbr.ind lr, $3  }
0x3a: {  	_ = 	snop  }
0x3b: {  	_ = 	snop  }
0x3c: {  	p2 =	seq.s32 s10, $0x1;
	s10 =	sld [smem:$0x3FBA]  }
0x3d: {  	_ =	shalt  }
0x3e: {  	_ =	shalt  }
0x3f: {  	_ =	shalt  }
0x40: {  	_ =	shalt  }
0x41: {  	_ =	shalt  }
0x42: {  	_ =	shalt  }
0x43: {  	_ =	shalt  }
0x44: {  	_ =	shalt  }
0x45: {  	_ =	shalt  }
0x46: {  	_ =	shalt  }
0x47: {  	_ =	shalt  }
0x48: {  	_ =	shalt  }
0x49: {  	_ =	shalt  }
0x4a: {  	_ =	shalt  }
0x4b: {  	_ =	shalt  }
0x4c: {  	_ =	shalt  }
0x4d: {  	_ =	shalt  }
0x4e: {  	_ =	shalt  }
0x4f: {  	_ =	shalt  }
0x50: {  	_ =	shalt  }
0x51: {  	_ =	shalt  }
0x52: {  	_ =	shalt  }
0x53: {  	_ =	shalt  }
0x54: {  	_ =	shalt  }
0x55: {  	_ =	shalt  }
0x56: {  	_ =	shalt  }
0x57: {  	_ =	shalt  }
0x58: {  	_ =	shalt  }
0x59: {  	_ =	shalt  }
0x5a: {  	_ =	shalt  }
0x5b: {  	_ =	shalt  }
0x5c: {  	_ =	shalt  }
0x5d: {  	_ =	shalt  }
0x5e: {  	_ =	shalt  }
0x5f: {  	_ =	shalt  }
0x60: {  	_ =	shalt  }
0x61: {  	_ =	shalt  }
0x62: {  	_ =	shalt  }
0x63: {  	_ =	shalt  }
0x64: {  	_ =	shalt  }
0x65: {  	_ =	shalt  }
0x66: {  	_ =	shalt  }
0x67: {  	_ =	shalt  }
0x68: {  	_ =	shalt  }
0x69: {  	_ =	shalt  }
0x6a: {  	_ =	shalt  }
0x6b: {  	_ =	shalt  }
0x6c: {  	_ =	shalt  }
0x6d: {  	_ =	shalt  }
0x6e: {  	_ =	shalt  }
0x6f: {  	_ =	shalt  }
0x70: {  	_ =	shalt  }
0x71: {  	_ =	shalt  }
0x72: {  	_ =	shalt  }
0x73: {  	_ =	shalt  }
0x74: {  	_ =	shalt  }
0x75: {  	_ =	shalt  }
0x76: {  	_ =	shalt  }
0x77: {  	_ =	shalt  }
0x78: {  	_ =	shalt  }
0x79: {  	_ =	shalt  }
0x7a: {  	_ =	shalt  }
0x7b: {  	_ =	shalt  }
0x7c: {  	_ =	shalt  }
0x7d: {  	_ =	shalt  }
0x7e: {  	_ =	shalt  }
0x7f: {  	_ =	shalt  }
0x80: {  	_ =	shalt  }
0x81: {  	_ =	shalt  }
0x82: {  	_ =	shalt  }
0x83: {  	_ =	shalt  }
0x84: {  	_ =	shalt  }
0x85: {  	_ =	shalt  }
0x86: {  	_ =	shalt  }
0x87: {  	_ =	shalt  }
.Lfunc_end0:
.L_simem_size_0:
called_computation.1_lowered:
.L_overlay_start_0:
0x88: {  	s2 =	sld [smem:$0x3FD9]  }
0x89: {  	s3 =	sld [smem:$0x3FFE];
	_ =	sdelay $0x1  }
0x8a: {  	s1 =	srdreg.scid  }
0x8b: {  	s0 =	sand.u32 $0x1, s1  }
0x8c: {  	s16 =	sshll.u32 s0, $0xA;
	s2 =	sadd.s32 s3, s2  }
0x8d: {  	s2 =	sadd.s32 s2, s16  }
0x8e: {  	[smem:$0x3FC6] =	sst s2  }
0x8f: {  	_ = 	snop  }
0x90: {  	(tm) =	ssettm $0x1  }
0x91: {  	s17 =	sld [smem:$0x3FFB];
	_ =	sdelay $0x3  }
0x92: {  	_ =	strace s17  }
0x93: {  	s2 =	sld [smem:$0x3FFC];
	_ =	sdelay $0x3  }
0x94: {  	_ =	strace s2  }
0x95: {  	s2 =	sld [smem:$0x3FFD];
	_ =	sdelay $0x3  }
0x96: {  	_ =	strace s2  }
0x97: {  	_ =	strace $0x8FFFFFFF  }
0x98: {  	s18 =	sld [smem:$0x3FDB];
	_ =	sdelay $0x1  }
0x99: {  	s19 =	simm.s32 $_scs_section_size  }
0x9a: {  	s4 =	simm.s32 $_size__tile_overlayer_lowered;
	s5 =	simm.s32 $_tile_overlayer_lowered  }
0x9b: {  	s22 =	simm.s32 $0x1BFF;
	s21 =	sshll.u32 s5, $0x1;
	s2 =	sadd.s32 s19, s18  }
0x9c: {  	s6 =	simm.s32 $0x0;
	s20 =	sshll.u32 s4, $0x1;
	s4 =	sadd.s32 s21, s2  }
0x9d: {  	[timem:s6], [sflag:s22] =	dma.local [hbm:s4], s20  }
0x9e: {  	_ =	swait.ge [sflag:s22], s20  }
0x9f: {  	s3 =	ssub.s32 $0x0, s20;
	[sflag:s22] =	ssyncset.done $0x0  }
0xa0: {  	[sflag:s22] =	ssyncadd.s32 s3;
	_ =	sdelay $0x1  }
0xa1: {  	s23 =	simm.s32 $0x1B8B  }
0xa2: {  	_ =	swait.ge [sflag:s23], $0x1  }
0xa3: {  	[sflag:s23] =	ssyncset.done $0x0  }
0xa4: {  	s25 =	simm.s32 $0x1B8E;
	s24 =	sld [smem:$0x3FFE];
	[sflag:s23] =	ssyncadd.s32 $0xFFFFFFFF  }
0xa5: {  	s26 =	simm.s32 $execute0_lowered;
	[smem:$0x3FD2] =	sst s25  }
0xa6: {  	s4 =	sshll.u32 s26, $0x1;
	_ =	strace $0x80000046;
	[dreg:$0x1] =	wrdreg $0xFFFFFFFF  }
0xa7: {  	s28 =	simm.s32 $_size_execute0_lowered;
	s2 =	sadd.s32 s2, s4;
	[dreg:$0x0] =	wrdreg $0x0  }
0xa8: {  	s4 =	sshll.u32 s28, $0x1;
	[dreg:$0x2] =	wrdreg s2  }
0xa9: {  	[dreg:$0x3] =	wrdreg s4  }
0xaa: {  	[dreg:$0x4] =	wrdreg $0xC0  }
0xab: {  	_ =	task [dreg:s6], $0x5FFFF  }
0xac: {  	[dreg:$0x1] =	wrdreg $0xFFFFFFFF  }
0xad: {  	[dreg:$0x0] =	wrdreg $0x60  }
0xae: {  	[dreg:$0x2] =	wrdreg s24  }
0xaf: {  	[dreg:$0x3] =	wrdreg $0x9  }
0xb0: {  	_ =	task.clear_ibuf [dreg:s6], $0x4FFFF;
	_ =	strace $0x90000046  }
0xb1: {  	s29 =	simm.s32 $0x9;
	_ =	strace $0x80000048  }
0xb2: {  	_ =	swait.ge [sflag:s29], $0x1  }
0xb3: {  	[sflag:s29] =	ssyncadd.s32 $0xFFFFFFFF  }
0xb4: {  	_ =	strace $0x90000048  }
0xb5: {  	_ =	sfence  }
0xb6: {  	s30 =	sld [smem:$0x0];
	_ =	sdelay $0x2  }
0xb7: {  	s31 =	sshll.u32 s1, $0xD;
	s1 =	sshrl.u32 s1, $0x2  }
0xb8: {  	s3 =	sand.u32 $0x4000, s31;
	s1 =	sadd.s32 s1, s30  }
0xb9: {  	s0 =	sor.u32 s3, s0;
	s1 =	sshll.u32 s1, $0x11  }
0xba: {  	s0 =	sor.u32 s1, s0  }
0xbb: {  	s0 =	sadd.s32 $0x8F2B, s0  }
0xbc: {  	[sflag:s0] =	ssyncadd.remote.s32 $0x1  }
0xbd: {  	_ =	sfence.sel $0xFFFF  }
0xbe: {  	[dreg:$0x0] =	wrdreg $0xFFFFFFFF;
	(pc) =	sbr.abs _section_cstart, $3  }
0xbf: {  	[dreg:$0x1] =	wrdreg $0xFFFFFFFF  }
0xc0: {  	_ =	task.clear_ibuf [dreg:s6], $0x2FFFF;
	_ =	strace $0x9FFFFFFF  }
0xc1: {  	(tm) =	ssettm $0x7FFFFFFF  }
tec
execute0_lowered:
.L_overlay_start_1:
0x0: {  	(tag) =	ssettag $0x1  }
0x1: {  	s0 =	rddreg [dreg:$0x0]  }
0x2: {  	s1 =	srdreg.scid;
	s6 =	stileid.u32  }
0x3: {  	s2 =	simm.s32 $0x0;
	s10 =	simm.s32 $0x3;
	s11 =	simm.s32 $0x1C00  }
0x4: {  	s15 =	simm.s32 $0x1;
	s31 =	simm.s32 $0x6C8;
	s12 =	simm.s32 $0x2  }
0x5: {  	s13 =	simm.s32 $0x0;
	s1 =	sand.u32 $0x1, s1;
	s3 =	sshll.u32 s6, $0x8  }
0x6: {  	[smem:$0x7FF] =	sst s2;
	s6 =	smul.u32 $0x38000, s6;
	s4 =	sshll.u32 s1, $0x7  }
0x7: {  	_ =	strace $0x80000047;
	s7 =	ssub.s32 $0x2, s1;
	s4 =	sor.u32 s4, s3  }
0x8: {  	s1 =	smul.u32 $0x1C000, s1;
	s8 =	sshrl.u32 s7, $0x1;
	s3 =	sshll.u32 s4, $0x4  }
0x9: {  	s9 =	smul.u32 $0x380, s4;
	s7 =	ssub.s32 s7, s8;
	s8 =	simm.s32 $0x38  }
0xa: {  	s5 =	sadd.s32 s3, s0;
	s3 =	sadd.s32 $0x10800, s0;
	s0 =	sadd.s32 $0xD3E00, s0  }
0xb: {  	s6 =	sadd.s32 s6, s0;
	s4 =	sadd.s32 $0x800, s5;
	s5 =	smax.u32 s7, $0x1  }
0xc: {  	s1 =	sadd.s32 s1, s6;
	s6 =	sadd.s32 s0, s9;
	s9 =	simm.s32 $0x80  }
0xd: {  	s0 =	simm.s32 $0x1CE00;
	s18 =	sadd.s32 $0x1C00, s1;
	s1 =	simm.s32 $0x40  }
.LBB2_1:
0xe: {  	[tilespmem:s2], [sflag:$0x3] =	stream.strided.gather [hbm4b:s4+s8], $0x1C00, s9, s8, $0x38;
	[tilespmem:$0x1DC00] =	vst v63  }
0xf: {  	_ =	swait.ge [sflag:s10], $0x1C00  }
0x10: {  	[sflag:s10] =	ssyncset.done $0x0  }
0x11: {  	[sflag:s10] =	ssyncadd.s32 $0xFFFFE400  }
0x12: {  	[tilespmem:s11], [sflag:$0x1] =	stream.indirect.gather [hbm4b:s3+s8], $0x40, s2, s8, $0xb8;
	[tilespmem:$0x1DC00] =	vst v63  }
0x13: {  	s7 =	simm.s32 $0x2A00  }
0x14: {  	[tilespmem:s7], [sflag:$0x1] =	stream.indirect.gather [hbm4b:s3+s8], $0x40, s8, s8, $0xb8;
	[tilespmem:$0x1DC00] =	vst v63  }
0x15: {  	s25 =	simm.s32 $0x70;
	s14 =	simm.s32 $0x3800  }
0x16: {  	[tilespmem:s14], [sflag:$0x1] =	stream.indirect.gather [hbm4b:s3+s8], $0x40, s25, s8, $0xb8;
	[tilespmem:$0x1DC00] =	vst v63  }
0x17: {  	s26 =	simm.s32 $0xA8;
	s28 =	simm.s32 $0x4600  }
0x18: {  	[tilespmem:s28], [sflag:$0x1] =	stream.indirect.gather [hbm4b:s3+s8], $0x40, s26, s8, $0xb8;
	[tilespmem:$0x1DC00] =	vst v63  }
0x19: {  	s29 =	simm.s32 $0xE0;
	s30 =	simm.s32 $0x5400  }
0x1a: {  	[tilespmem:s30], [sflag:$0x1] =	stream.indirect.gather [hbm4b:s3+s8], $0x40, s29, s8, $0xb8;
	[tilespmem:$0x1DC00] =	vst v63  }
0x1b: {  	s16 =	simm.s32 $0x6200;
	s14 =	simm.s32 $0x118  }
0x1c: {  	[tilespmem:s16], [sflag:$0x1] =	stream.indirect.gather [hbm4b:s3+s8], $0x40, s14, s8, $0xb8;
	[tilespmem:$0x1DC00] =	vst v63  }
0x1d: {  	s17 =	simm.s32 $0x150;
	s19 =	simm.s32 $0x7000  }
0x1e: {  	[tilespmem:s19], [sflag:$0x1] =	stream.indirect.gather [hbm4b:s3+s8], $0x40, s17, s8, $0xb8;
	[tilespmem:$0x1DC00] =	vst v63  }
0x1f: {  	s20 =	simm.s32 $0x188;
	s21 =	simm.s32 $0x7E00  }
0x20: {  	[tilespmem:s21], [sflag:$0x1] =	stream.indirect.gather [hbm4b:s3+s8], $0x40, s20, s8, $0xb8;
	[tilespmem:$0x1DC00] =	vst v63  }
0x21: {  	s22 =	simm.s32 $0x1C0;
	s23 =	simm.s32 $0x8C00  }
0x22: {  	[tilespmem:s23], [sflag:$0x1] =	stream.indirect.gather [hbm4b:s3+s8], $0x40, s22, s8, $0xb8;
	[tilespmem:$0x1DC00] =	vst v63  }
0x23: {  	s24 =	simm.s32 $0x1F8;
	s25 =	simm.s32 $0x9A00  }
0x24: {  	[tilespmem:s25], [sflag:$0x1] =	stream.indirect.gather [hbm4b:s3+s8], $0x40, s24, s8, $0xb8;
	[tilespmem:$0x1DC00] =	vst v63  }
0x25: {  	s26 =	simm.s32 $0x230;
	s28 =	simm.s32 $0xA800  }
0x26: {  	[tilespmem:s28], [sflag:$0x1] =	stream.indirect.gather [hbm4b:s3+s8], $0x40, s26, s8, $0xb8;
	[tilespmem:$0x1DC00] =	vst v63  }
0x27: {  	s29 =	simm.s32 $0x268;
	s30 =	simm.s32 $0xB600  }
0x28: {  	[tilespmem:s30], [sflag:$0x1] =	stream.indirect.gather [hbm4b:s3+s8], $0x40, s29, s8, $0xb8;
	[tilespmem:$0x1DC00] =	vst v63  }
0x29: {  	s14 =	simm.s32 $0x2A0;
	s16 =	simm.s32 $0xC400  }
0x2a: {  	[tilespmem:s16], [sflag:$0x1] =	stream.indirect.gather [hbm4b:s3+s8], $0x40, s14, s8, $0xb8;
	[tilespmem:$0x1DC00] =	vst v63  }
0x2b: {  	s17 =	simm.s32 $0x2D8;
	s19 =	simm.s32 $0xD200  }
0x2c: {  	[tilespmem:s19], [sflag:$0x1] =	stream.indirect.gather [hbm4b:s3+s8], $0x40, s17, s8, $0xb8;
	[tilespmem:$0x1DC00] =	vst v63  }
0x2d: {  	s20 =	simm.s32 $0x310;
	s21 =	simm.s32 $0xE000  }
0x2e: {  	[tilespmem:s21], [sflag:$0x1] =	stream.indirect.gather [hbm4b:s3+s8], $0x40, s20, s8, $0xb8;
	[tilespmem:$0x1DC00] =	vst v63  }
0x2f: {  	s22 =	simm.s32 $0x348;
	s23 =	simm.s32 $0xEE00  }
0x30: {  	[tilespmem:s23], [sflag:$0x1] =	stream.indirect.gather [hbm4b:s3+s8], $0x40, s22, s8, $0xb8;
	[tilespmem:$0x1DC00] =	vst v63  }
0x31: {  	s24 =	simm.s32 $0x380;
	s25 =	simm.s32 $0xFC00  }
0x32: {  	[tilespmem:s25], [sflag:$0x1] =	stream.indirect.gather [hbm4b:s3+s8], $0x40, s24, s8, $0xb8;
	[tilespmem:$0x1DC00] =	vst v63  }
0x33: {  	s26 =	simm.s32 $0x3B8;
	s28 =	simm.s32 $0x10A00  }
0x34: {  	[tilespmem:s28], [sflag:$0x1] =	stream.indirect.gather [hbm4b:s3+s8], $0x40, s26, s8, $0xb8;
	[tilespmem:$0x1DC00] =	vst v63  }
0x35: {  	s29 =	simm.s32 $0x3F0;
	s30 =	simm.s32 $0x11800  }
0x36: {  	[tilespmem:s30], [sflag:$0x1] =	stream.indirect.gather [hbm4b:s3+s8], $0x40, s29, s8, $0xb8;
	[tilespmem:$0x1DC00] =	vst v63  }
0x37: {  	s14 =	simm.s32 $0x428;
	s16 =	simm.s32 $0x12600  }
0x38: {  	[tilespmem:s16], [sflag:$0x1] =	stream.indirect.gather [hbm4b:s3+s8], $0x40, s14, s8, $0xb8;
	[tilespmem:$0x1DC00] =	vst v63  }
0x39: {  	s17 =	simm.s32 $0x460;
	s19 =	simm.s32 $0x13400  }
0x3a: {  	[tilespmem:s19], [sflag:$0x1] =	stream.indirect.gather [hbm4b:s3+s8], $0x40, s17, s8, $0xb8;
	[tilespmem:$0x1DC00] =	vst v63  }
0x3b: {  	s20 =	simm.s32 $0x498;
	s21 =	simm.s32 $0x14200  }
0x3c: {  	[tilespmem:s21], [sflag:$0x1] =	stream.indirect.gather [hbm4b:s3+s8], $0x40, s20, s8, $0xb8;
	[tilespmem:$0x1DC00] =	vst v63  }
0x3d: {  	s22 =	simm.s32 $0x4D0;
	s23 =	simm.s32 $0x15000  }
0x3e: {  	[tilespmem:s23], [sflag:$0x1] =	stream.indirect.gather [hbm4b:s3+s8], $0x40, s22, s8, $0xb8;
	[tilespmem:$0x1DC00] =	vst v63  }
0x3f: {  	s24 =	simm.s32 $0x508;
	s25 =	simm.s32 $0x15E00  }
0x40: {  	[tilespmem:s25], [sflag:$0x1] =	stream.indirect.gather [hbm4b:s3+s8], $0x40, s24, s8, $0xb8;
	[tilespmem:$0x1DC00] =	vst v63  }
0x41: {  	_ =	swait.ge [sflag:s15], $0xE00  }
0x42: {  	[sflag:s15] =	ssyncset.done $0x0  }
0x43: {  	[sflag:s15] =	ssyncadd.s32 $0xFFFFF200  }
0x44: {  	_ =	swait.ge [sflag:s15], $0xE00  }
0x45: {  	[sflag:s15] =	ssyncset.done $0x0  }
0x46: {  	[sflag:s15] =	ssyncadd.s32 $0xFFFFF200  }
0x47: {  	_ =	swait.ge [sflag:s15], $0xE00  }
0x48: {  	[sflag:s15] =	ssyncset.done $0x0  }
0x49: {  	[sflag:s15] =	ssyncadd.s32 $0xFFFFF200  }
0x4a: {  	_ =	swait.ge [sflag:s15], $0xE00  }
0x4b: {  	[sflag:s15] =	ssyncset.done $0x0  }
0x4c: {  	[sflag:s15] =	ssyncadd.s32 $0xFFFFF200  }
0x4d: {  	_ =	swait.ge [sflag:s15], $0xE00  }
0x4e: {  	[sflag:s15] =	ssyncset.done $0x0  }
0x4f: {  	[sflag:s15] =	ssyncadd.s32 $0xFFFFF200  }
0x50: {  	_ =	swait.ge [sflag:s15], $0xE00  }
0x51: {  	[sflag:s15] =	ssyncset.done $0x0  }
0x52: {  	[sflag:s15] =	ssyncadd.s32 $0xFFFFF200  }
0x53: {  	_ =	swait.ge [sflag:s15], $0xE00  }
0x54: {  	[sflag:s15] =	ssyncset.done $0x0  }
0x55: {  	[sflag:s15] =	ssyncadd.s32 $0xFFFFF200  }
0x56: {  	_ =	swait.ge [sflag:s15], $0xE00  }
0x57: {  	[sflag:s15] =	ssyncset.done $0x0  }
0x58: {  	s26 =	simm.s32 $0x540;
	s28 =	simm.s32 $0x16C00;
	[sflag:s15] =	ssyncadd.s32 $0xFFFFF200  }
0x59: {  	[tilespmem:s28], [sflag:$0x1] =	stream.indirect.gather [hbm4b:s3+s8], $0x40, s26, s8, $0xb8;
	[tilespmem:$0x1DC00] =	vst v63  }
0x5a: {  	s29 =	simm.s32 $0x578;
	s30 =	simm.s32 $0x17A00  }
0x5b: {  	[tilespmem:s30], [sflag:$0x1] =	stream.indirect.gather [hbm4b:s3+s8], $0x40, s29, s8, $0xb8;
	[tilespmem:$0x1DC00] =	vst v63  }
0x5c: {  	s16 =	simm.s32 $0x5B0;
	s17 =	simm.s32 $0x18800  }
0x5d: {  	[tilespmem:s17], [sflag:$0x1] =	stream.indirect.gather [hbm4b:s3+s8], $0x40, s16, s8, $0xb8;
	[tilespmem:$0x1DC00] =	vst v63  }
0x5e: {  	s19 =	simm.s32 $0x5E8;
	s20 =	simm.s32 $0x19600  }
0x5f: {  	[tilespmem:s20], [sflag:$0x1] =	stream.indirect.gather [hbm4b:s3+s8], $0x40, s19, s8, $0xb8;
	[tilespmem:$0x1DC00] =	vst v63  }
0x60: {  	s21 =	simm.s32 $0x620;
	s22 =	simm.s32 $0x1A400  }
0x61: {  	[tilespmem:s22], [sflag:$0x1] =	stream.indirect.gather [hbm4b:s3+s8], $0x40, s21, s8, $0xb8;
	[tilespmem:$0x1DC00] =	vst v63  }
0x62: {  	s23 =	simm.s32 $0x658;
	s24 =	simm.s32 $0x1B200  }
0x63: {  	[tilespmem:s24], [sflag:$0x1] =	stream.indirect.gather [hbm4b:s3+s8], $0x40, s23, s8, $0xb8;
	[tilespmem:$0x1DC00] =	vst v63  }
0x64: {  	s25 =	simm.s32 $0x690;
	s26 =	simm.s32 $0x1C000  }
0x65: {  	[tilespmem:s26], [sflag:$0x1] =	stream.indirect.gather [hbm4b:s3+s8], $0x40, s25, s8, $0xb8;
	[tilespmem:$0x1DC00] =	vst v63  }
0x66: {  	_ = 	snop  }
0x67: {  	[tilespmem:s0], [sflag:$0x1] =	stream.indirect.gather [hbm4b:s3+s8], $0x40, s31, s8, $0xb8;
	[tilespmem:$0x1DC00] =	vst v63  }
0x68: {  	_ = 	snop  }
0x69: {  	[hbm4b:s6+s1] =	stream.strided.scatter [tilespmem:s11], [sflag:$0x2], $0x7000, s9, s1, $0x38;
	[tilespmem:$0x1DC00] =	vst v63  }
0x6a: {  	_ =	swait.ge [sflag:s15], $0xE00  }
0x6b: {  	[sflag:s15] =	ssyncset.done $0x0  }
0x6c: {  	[sflag:s15] =	ssyncadd.s32 $0xFFFFF200  }
0x6d: {  	_ =	swait.ge [sflag:s15], $0xE00  }
0x6e: {  	[sflag:s15] =	ssyncset.done $0x0  }
0x6f: {  	[sflag:s15] =	ssyncadd.s32 $0xFFFFF200  }
0x70: {  	_ =	swait.ge [sflag:s15], $0xE00  }
0x71: {  	[sflag:s15] =	ssyncset.done $0x0  }
0x72: {  	[sflag:s15] =	ssyncadd.s32 $0xFFFFF200  }
0x73: {  	_ =	swait.ge [sflag:s15], $0xE00  }
0x74: {  	[sflag:s15] =	ssyncset.done $0x0  }
0x75: {  	[sflag:s15] =	ssyncadd.s32 $0xFFFFF200  }
0x76: {  	_ =	swait.ge [sflag:s15], $0xE00  }
0x77: {  	[sflag:s15] =	ssyncset.done $0x0  }
0x78: {  	[sflag:s15] =	ssyncadd.s32 $0xFFFFF200  }
0x79: {  	_ =	swait.ge [sflag:s15], $0xE00  }
0x7a: {  	[sflag:s15] =	ssyncset.done $0x0  }
0x7b: {  	[sflag:s15] =	ssyncadd.s32 $0xFFFFF200  }
0x7c: {  	_ =	swait.ge [sflag:s15], $0xE00  }
0x7d: {  	[sflag:s15] =	ssyncset.done $0x0  }
0x7e: {  	[sflag:s15] =	ssyncadd.s32 $0xFFFFF200  }
0x7f: {  	p0 =	por $0x0, $0x0;
	s7 =	simm.s32 $0x4;
	_ =	swait.ge [sflag:s15], $0xE00  }
0x80: {  	s7 =	sand.u32 @!p0 $0x3, s7;
	[sflag:s15] =	ssyncset.done $0x0  }
0x81: {  	s7 =	smul.u32 @!p0 $0x1C000, s7;
	[sflag:s15] =	ssyncadd.s32 $0xFFFFF200  }
0x82: {  	_ =	swait.ge [sflag:s12], $0x7000  }
0x83: {  	s7 =	sshrl.u32 @!p0 s7, $0x2;
	s14 =	simm.s32 @!p0 $0x700;
	[sflag:s12] =	ssyncset.done $0x0  }
0x84: {  	s16 =	simm.s32 @!p0 $0x38;
	s17 =	sadd.s32 @!p0 $0x1C00, s7;
	[sflag:s12] =	ssyncadd.s32 $0xFFFF9000  }
0x85: {  	[tilespmem:s17], [sflag:$0x1] =	stream.indirect.gather @!p0 [hbm4b:s3+s16], $0x40, s14, s16, $0xb8;
	[tilespmem:$0x1DC00] =	vst v63  }
0x86: {  	s14 =	simm.s32 @!p0 $0x738;
	s17 =	sadd.s32 @!p0 $0x2A00, s7  }
0x87: {  	[tilespmem:s17], [sflag:$0x1] =	stream.indirect.gather @!p0 [hbm4b:s3+s16], $0x40, s14, s16, $0xb8;
	[tilespmem:$0x1DC00] =	vst v63  }
0x88: {  	s14 =	simm.s32 @!p0 $0x770;
	s17 =	sadd.s32 @!p0 $0x3800, s7  }
0x89: {  	[tilespmem:s17], [sflag:$0x1] =	stream.indirect.gather @!p0 [hbm4b:s3+s16], $0x40, s14, s16, $0xb8;
	[tilespmem:$0x1DC00] =	vst v63  }
0x8a: {  	s14 =	sadd.s32 @!p0 $0x4600, s7;
	s17 =	simm.s32 @!p0 $0x7A8  }
0x8b: {  	[tilespmem:s14], [sflag:$0x1] =	stream.indirect.gather @!p0 [hbm4b:s3+s16], $0x40, s17, s16, $0xb8;
	[tilespmem:$0x1DC00] =	vst v63  }
0x8c: {  	s28 =	simm.s32 $0x1;
	s14 =	sadd.s32 @!p0 $0x5400, s7;
	s17 =	simm.s32 @!p0 $0x7E0  }
0x8d: {  	[tilespmem:s14], [sflag:$0x1] =	stream.indirect.gather @!p0 [hbm4b:s3+s16], $0x40, s17, s16, $0xb8;
	[tilespmem:$0x1DC00] =	vst v63  }
0x8e: {  	s19 =	simm.s32 @!p0 $0x818;
	s14 =	sand.u32 $0x3, s28  }
0x8f: {  	s17 =	sadd.s32 @!p0 $0x6200, s7;
	s29 =	smul.u32 $0x1C000, s14;
	s14 =	simm.s32 $0x700  }
0x90: {  	[tilespmem:s17], [sflag:$0x1] =	stream.indirect.gather @!p0 [hbm4b:s3+s16], $0x40, s19, s16, $0xb8;
	[tilespmem:$0x1DC00] =	vst v63  }
0x91: {  	s17 =	sadd.s32 @!p0 $0x7000, s7;
	s19 =	simm.s32 @!p0 $0x850;
	s30 =	sshrl.u32 s29, $0x2  }
0x92: {  	[tilespmem:s17], [sflag:$0x1] =	stream.indirect.gather @!p0 [hbm4b:s3+s16], $0x40, s19, s16, $0xb8;
	[tilespmem:$0x1DC00] =	vst v63  }
0x93: {  	s7 =	sadd.s32 @!p0 $0x7E00, s7;
	s17 =	simm.s32 @!p0 $0x888;
	s19 =	sadd.s32 $0x1C00, s30  }
0x94: {  	[tilespmem:s7], [sflag:$0x1] =	stream.indirect.gather @!p0 [hbm4b:s3+s16], $0x40, s17, s16, $0xb8;
	[tilespmem:$0x1DC00] =	vst v63  }
0x95: {  	s16 =	sadd.s32 $0x1C00, s18;
	s17 =	simm.s32 $0x5;
	s7 =	smov.u32 s18  }
.LBB2_2:
0x96: {  	[hbm4b:s7+s1] =	stream.strided.scatter [tilespmem:s19], [sflag:$0x2], $0x7000, s9, s1, $0x38;
	[tilespmem:$0x1DC00] =	vst v63  }
0x97: {  	s19 =	smov.u32 s14;
	s14 =	sadd.s32 $0x700, s14;
	_ =	swait.ge [sflag:s15], $0xE00  }
0x98: {  	s7 =	smov.u32 s16;
	p0 =	sne.s32 s14, $0x6900;
	[sflag:s15] =	ssyncset.done $0x0  }
0x99: {  	[sflag:s15] =	ssyncadd.s32 $0xFFFFF200  }
0x9a: {  	_ =	swait.ge [sflag:s15], $0xE00  }
0x9b: {  	[sflag:s15] =	ssyncset.done $0x0  }
0x9c: {  	[sflag:s15] =	ssyncadd.s32 $0xFFFFF200  }
0x9d: {  	_ =	swait.ge [sflag:s15], $0xE00  }
0x9e: {  	[sflag:s15] =	ssyncset.done $0x0  }
0x9f: {  	[sflag:s15] =	ssyncadd.s32 $0xFFFFF200  }
0xa0: {  	_ =	swait.ge [sflag:s15], $0xE00  }
0xa1: {  	[sflag:s15] =	ssyncset.done $0x0  }
0xa2: {  	[sflag:s15] =	ssyncadd.s32 $0xFFFFF200  }
0xa3: {  	_ =	swait.ge [sflag:s15], $0xE00  }
0xa4: {  	[sflag:s15] =	ssyncset.done $0x0  }
0xa5: {  	[sflag:s15] =	ssyncadd.s32 $0xFFFFF200  }
0xa6: {  	_ =	swait.ge [sflag:s15], $0xE00  }
0xa7: {  	[sflag:s15] =	ssyncset.done $0x0  }
0xa8: {  	[sflag:s15] =	ssyncadd.s32 $0xFFFFF200  }
0xa9: {  	_ =	swait.ge [sflag:s15], $0xE00  }
0xaa: {  	[sflag:s15] =	ssyncset.done $0x0  }
0xab: {  	s20 =	sadd.s32 $0xFFFFFFFD, s17;
	[sflag:s15] =	ssyncadd.s32 $0xFFFFF200  }
0xac: {  	s21 =	sand.u32 $0x3, s20;
	p1 =	sgt.u32 s20, $0xC;
	_ =	swait.ge [sflag:s15], $0xE00  }
0xad: {  	s20 =	sand.u32 @!p1 $0x3, s17;
	s19 =	sshra.s32 @!p1 s19, $0x2;
	[sflag:s15] =	ssyncset.done $0x0  }
0xae: {  	s20 =	smul.u32 @!p1 $0x1C000, s20;
	s22 =	sadd.s32 @!p1 $0x700, s19;
	[sflag:s15] =	ssyncadd.s32 $0xFFFFF200  }
0xaf: {  	s23 =	sadd.s32 @!p1 $0x738, s19;
	s24 =	sadd.s32 @!p1 $0x770, s19;
	_ =	swait.ge [sflag:s12], $0x7000  }
0xb0: {  	s25 =	simm.s32 @!p1 $0x38;
	s20 =	sshrl.u32 @!p1 s20, $0x2;
	[sflag:s12] =	ssyncset.done $0x0  }
0xb1: {  	s26 =	sadd.s32 @!p1 $0x1C00, s20;
	s28 =	sadd.s32 @!p1 $0x2A00, s20;
	[sflag:s12] =	ssyncadd.s32 $0xFFFF9000  }
0xb2: {  	[tilespmem:s26], [sflag:$0x1] =	stream.indirect.gather @!p1 [hbm4b:s3+s25], $0x40, s22, s25, $0xb8;
	[tilespmem:$0x1DC00] =	vst v63  }
0xb3: {  	s29 =	sadd.s32 @!p1 $0x5400, s20;
	s22 =	sadd.s32 @!p1 $0x3800, s20;
	s26 =	sadd.s32 @!p1 $0x4600, s20  }
0xb4: {  	[tilespmem:s28], [sflag:$0x1] =	stream.indirect.gather @!p1 [hbm4b:s3+s25], $0x40, s23, s25, $0xb8;
	[tilespmem:$0x1DC00] =	vst v63  }
0xb5: {  	s30 =	sadd.s32 @!p1 $0x6200, s20;
	s23 =	sadd.s32 @!p1 $0x7A8, s19;
	s28 =	sadd.s32 @!p1 $0x7E0, s19  }
0xb6: {  	[tilespmem:s22], [sflag:$0x1] =	stream.indirect.gather @!p1 [hbm4b:s3+s25], $0x40, s24, s25, $0xb8;
	[tilespmem:$0x1DC00] =	vst v63  }
0xb7: {  	s22 =	sadd.s32 @!p1 $0x818, s19;
	s24 =	sadd.s32 @!p1 $0x7000, s20;
	s20 =	sadd.s32 @!p1 $0x7E00, s20  }
0xb8: {  	[tilespmem:s26], [sflag:$0x1] =	stream.indirect.gather @!p1 [hbm4b:s3+s25], $0x40, s23, s25, $0xb8;
	[tilespmem:$0x1DC00] =	vst v63  }
0xb9: {  	s21 =	smul.u32 $0x1C000, s21;
	s23 =	sadd.s32 @!p1 $0x850, s19;
	s19 =	sadd.s32 @!p1 $0x888, s19  }
0xba: {  	[tilespmem:s29], [sflag:$0x1] =	stream.indirect.gather @!p1 [hbm4b:s3+s25], $0x40, s28, s25, $0xb8;
	[tilespmem:$0x1DC00] =	vst v63  }
0xbb: {  	_ = 	snop  }
0xbc: {  	[tilespmem:s30], [sflag:$0x1] =	stream.indirect.gather @!p1 [hbm4b:s3+s25], $0x40, s22, s25, $0xb8;
	[tilespmem:$0x1DC00] =	vst v63  }
.Ltmp0:
0xbd: {  	(pc) =	sbr.rel @p0 .LBB2_2-.Ltmp0, $4  }
0xbe: {  	[tilespmem:s24], [sflag:$0x1] =	stream.indirect.gather @!p1 [hbm4b:s3+s25], $0x40, s23, s25, $0xb8;
	[tilespmem:$0x1DC00] =	vst v63  }
0xbf: {  	s21 =	sshrl.u32 s21, $0x2  }
0xc0: {  	[tilespmem:s20], [sflag:$0x1] =	stream.indirect.gather @!p1 [hbm4b:s3+s25], $0x40, s19, s25, $0xb8;
	[tilespmem:$0x1DC00] =	vst v63  }
0xc1: {  	s16 =	sadd.s32 $0x1C00, s16;
	s17 =	sadd.s32 $0x1, s17;
	s19 =	sadd.s32 $0x1C00, s21  }
0xc2: {  	s13 =	sadd.s32 $0x1, s13  }
0xc3: {  	p0 =	sne.s32 s13, s5  }
.Ltmp1:
0xc4: {  	_ = 	snop;
	(pc) =	sbr.rel @p0 .LBB2_1-.Ltmp1, $4  }
0xc5: {  	[hbm4b:s7+s1] =	stream.strided.scatter [tilespmem:s19], [sflag:$0x2], $0x7000, s9, s1, $0x38;
	[tilespmem:$0x1DC00] =	vst v63  }
0xc6: {  	_ =	swait.ge [sflag:s12], $0x7000  }
0xc7: {  	[sflag:s12] =	ssyncset.done $0x0  }
0xc8: {  	[sflag:s12] =	ssyncadd.s32 $0xFFFF9000  }
0xc9: {  	_ =	sfence.sel $0x180000  }
0xca: {  	[bflag:$0x0] =	sbarrier.arrive $0xFFFF  }
0xcb: {  	_ =	strace $0x90000047  }
0xcc: {  	s0 =	stileid.u32;
	[bflag:$0x2] =	sbarrier.arrive $0xFFFF  }
0xcd: {  	p0 =	sne.s32 s0, $0x0;
	s0 =	rddreg [dreg:$0x1]  }
0xce: {  	s0 =	sadd.s32 @!p0 $0x100000, s0  }
0xcf: {  	[sflag:s0] =	ssyncadd.tile.s32 @!p0 $0x1;
	_ =	shalt  }
.Lfunc_end2:
_tile_overlayer_lowered:
.L_overlay_start_2:
0xd0: {  	(tag) =	ssettag $0x2  }
0xd1: {  	s0 =	rddreg [dreg:$0x0];
	s2 =	stileid.u32  }
0xd2: {  	s1 =	rddreg [dreg:$0x1];
	p0 =	sne.s32 s2, $0x0  }
0xd3: {  	s3 =	rddreg [dreg:$0x2];
	[bflag:$0x3] =	sbarrier.arrive $0xFFFF;
	s2 =	simm.s32 @!p0 $0x1C03  }
0xd4: {  	[timem:s3], [sflag:s2] =	dma.local @!p0 [hbm:s0], s1  }
0xd5: {  	s0 =	simm.s32 @!p0 $0x3  }
0xd6: {  	_ =	swait.ge @!p0 [sflag:s0], s1  }
0xd7: {  	s1 =	ssub.s32 @!p0 $0x0, s1;
	[sflag:s0] =	ssyncset.done @!p0 $0x0  }
0xd8: {  	[sflag:s0] =	ssyncadd.s32 @!p0 s1  }
0xd9: {  	[bflag:$0x3] =	sbarrier.arrive $0xFFFF  }
0xda: {  	_ =	shalt  }

// kernel: sparse-core-data-format-call.cloned.1.call-start
scs
called_computation_lowered:
.L_overlay_start_0:
0x0: {  	s2 =	sld [smem:$0x3FD9]  }
0x1: {  	s3 =	sld [smem:$0x3FFE];
	_ =	sdelay $0x1  }
0x2: {  	s1 =	srdreg.scid  }
0x3: {  	s0 =	sand.u32 $0x1, s1  }
0x4: {  	s18 =	sshll.u32 s0, $0xA;
	s2 =	sadd.s32 s3, s2  }
0x5: {  	s2 =	sadd.s32 s2, s18  }
0x6: {  	[smem:$0x3FC6] =	sst s2  }
0x7: {  	_ = 	snop  }
0x8: {  	s2 =	sld [smem:$0x3FD0];
	(tm) =	ssettm $0x1  }
0x9: {  	s19 =	sld [smem:$0x3FFB];
	_ =	sdelay $0x3  }
0xa: {  	_ =	strace s19  }
0xb: {  	s3 =	sld [smem:$0x3FFC];
	_ =	sdelay $0x3  }
0xc: {  	_ =	strace s3  }
0xd: {  	s3 =	sld [smem:$0x3FFD];
	_ =	sdelay $0x3  }
0xe: {  	_ =	strace s3  }
0xf: {  	_ =	strace $0x8FFFFFFF  }
0x10: {  	s20 =	sld [smem:$0x3FDB];
	_ =	sdelay $0x1  }
0x11: {  	s4 =	simm.s32 $_scs_section_size  }
0x12: {  	s5 =	simm.s32 $_size__tile_overlayer_lowered;
	s6 =	simm.s32 $_tile_overlayer_lowered  }
0x13: {  	s23 =	simm.s32 $0x1BFF;
	s22 =	sshll.u32 s6, $0x1;
	s3 =	sadd.s32 s4, s20  }
0x14: {  	s7 =	simm.s32 $0x0;
	s21 =	sshll.u32 s5, $0x1;
	s5 =	sadd.s32 s22, s3  }
0x15: {  	[timem:s7], [sflag:s23] =	dma.local [hbm:s5], s21  }
0x16: {  	_ =	swait.ge [sflag:s23], s21  }
0x17: {  	s4 =	ssub.s32 $0x0, s21;
	[sflag:s23] =	ssyncset.done $0x0  }
0x18: {  	[sflag:s23] =	ssyncadd.s32 s4;
	_ =	sdelay $0x1  }
0x19: {  	s24 =	simm.s32 $0x1B8B  }
0x1a: {  	_ =	swait.ge [sflag:s24], $0x1  }
0x1b: {  	[sflag:s24] =	ssyncset.done $0x0  }
0x1c: {  	s26 =	simm.s32 $0x1B8E;
	s25 =	sld [smem:$0x3FFE];
	[sflag:s24] =	ssyncadd.s32 $0xFFFFFFFF  }
0x1d: {  	s27 =	simm.s32 $execute0_lowered;
	[smem:$0x3FD2] =	sst s26  }
0x1e: {  	s5 =	sshll.u32 s27, $0x1;
	_ =	strace $0x80000049;
	[dreg:$0x1] =	wrdreg $0xFFFFFFFF  }
0x1f: {  	s28 =	simm.s32 $_size_execute0_lowered;
	s3 =	sadd.s32 s3, s5;
	[dreg:$0x0] =	wrdreg $0x0  }
0x20: {  	s5 =	sshll.u32 s28, $0x1;
	[dreg:$0x2] =	wrdreg s3  }
0x21: {  	[dreg:$0x3] =	wrdreg s5  }
0x22: {  	[dreg:$0x4] =	wrdreg $0xC0  }
0x23: {  	_ =	task [dreg:s7], $0x5FFFF  }
0x24: {  	[dreg:$0x1] =	wrdreg $0xFFFFFFFF  }
0x25: {  	[dreg:$0x0] =	wrdreg $0x60  }
0x26: {  	[dreg:$0x2] =	wrdreg s25  }
0x27: {  	[dreg:$0x3] =	wrdreg s2  }
0x28: {  	[dreg:$0x4] =	wrdreg $0x9  }
0x29: {  	_ =	task.clear_ibuf [dreg:s7], $0x5FFFF;
	_ =	strace $0x90000049  }
0x2a: {  	s29 =	simm.s32 $0x9;
	_ =	strace $0x8000004B  }
0x2b: {  	_ =	swait.ge [sflag:s29], $0x1  }
0x2c: {  	[sflag:s29] =	ssyncadd.s32 $0xFFFFFFFF  }
0x2d: {  	_ =	strace $0x9000004B  }
0x2e: {  	_ =	sfence  }
0x2f: {  	s30 =	sld [smem:$0x0];
	_ =	sdelay $0x2  }
0x30: {  	s31 =	sshll.u32 s1, $0xD;
	s1 =	sshrl.u32 s1, $0x2  }
0x31: {  	s3 =	sand.u32 $0x4000, s31;
	s1 =	sadd.s32 s1, s30  }
0x32: {  	s0 =	sor.u32 s3, s0;
	s1 =	sshll.u32 s1, $0x11  }
0x33: {  	s0 =	sor.u32 s1, s0  }
0x34: {  	s0 =	sadd.s32 $0x8F2B, s0  }
0x35: {  	[sflag:s0] =	ssyncadd.remote.s32 $0x1  }
0x36: {  	_ =	sfence.sel $0xFFFF  }
0x37: {  	[dreg:$0x0] =	wrdreg $0xFFFFFFFF;
	(pc) =	sbr.abs _section_cstart, $3  }
0x38: {  	[dreg:$0x1] =	wrdreg $0xFFFFFFFF  }
0x39: {  	_ =	task.clear_ibuf [dreg:s7], $0x2FFFF;
	_ =	strace $0x9FFFFFFF  }
0x3a: {  	(tm) =	ssettm $0x7FFFFFFF  }
0x3b: {  	_ =	shalt  }
tec
execute0_lowered:
.L_overlay_start_1:
0x0: {  	(tag) =	ssettag $0x1  }
0x1: {  	s0 =	srdreg.scid  }
0x2: {  	s1 =	sshll.u32 s0, $0x4  }
0x3: {  	s0 =	stileid.u32;
	s1 =	sand.u32 $0x10, s1  }
0x4: {  	s1 =	sor.u32 s0, s1  }
0x5: {  	s6 =	rddreg [dreg:$0x0];
	s4 =	simm.s32 $0x1;
	s2 =	sshll.u32 s1, $0x7  }
0x6: {  	s7 =	simm.s32 $0x2;
	s12 =	simm.s32 $0x0;
	s1 =	ssub.s32 $0x1000, s2  }
0x7: {  	s8 =	simm.s32 $0x8000;
	s13 =	simm.s32 $0x0;
	s3 =	sand.u32 $0xF80, s1  }
0x8: {  	s9 =	simm.s32 $0x0;
	s5 =	sshrl.u32 s1, $0xC;
	p0 =	sne.s32 s3, $0x0  }
.Ltmp0:
0x9: {  	s1 =	rddreg [dreg:$0x2];
	s4 =	simm.s32 @!p0 $0x0;
	(pc) =	sbr.rel .LBB1_1-.Ltmp0, $4  }
0xa: {  	s11 =	simm.s32 $0x0;
	s3 =	rddreg [dreg:$0x1];
	s5 =	sadd.s32 s4, s5  }
0xb: {  	_ =	strace $0x8000004A;
	s4 =	simm.s32 $0x1;
	s5 =	smul.u32 $0x32, s5  }
0xc: {  	s6 =	sadd.s32 $0xD3E00, s6;
	s10 =	smov.u32 s2;
	[sflag:s4] =	ssyncpa.u1 $0x0  }
0xd: {  	p0 =	por $0x0, $0x0;
	[sflag:s7] =	ssyncpa.u1 $0x0;
	s7 =	sor.u32 $0x1, s5  }
.LBB1_4:
0xe: {  	s16 =	sshll.u32 s13, $0x3;
	s17 =	sand.u32 $0x78, s13  }
0xf: {  	s30 =	sand.u32 $0x7E00, s13;
	s12 =	sshll.u32 s12, $0xF;
	s16 =	sand.u32 $0xC00, s16  }
0x10: {  	[tilespmem:s15+$0x810 ss:$0x81] =	vst.msk $0xffff, v2;
	s31 =	sand.u32 $0x7, s13;
	s16 =	sor.u32 s17, s16;
	s17 =	sadd.s32 s3, s30  }
0x11: {  	[tilespmem:s15+$0x1020 ss:$0x81] =	vst.msk $0xffff, v0;
	s13 =	sshll.u32 s31, $0x12;
	s12 =	sadd.s32 s12, s17;
	s16 =	sshrl.u32 s16, $0x3  }
0x12: {  	[tilespmem:s15+$0x0 ss:$0x81] =	vst.msk $0xffff, v1;
	s13 =	sor.u32 $0x400, s13;
	s12 =	sadd.s32 s16, s12  }
0x13: {  	[hbm4b:s12+s13] =	stream.strided.scatter [tilespmem:s14], [sflag:$0x2], $0x2000, s8, s13, $0x20;
	[tilespmem:$0x8080] =	vst v63  }
.LBB1_5:
0x14: {  	s14 =	sadd.s32 $0x1, s9  }
0x15: {  	s12 =	sadd.s32 $0x1000, s10;
	s16 =	smov.u32 s10;
	p2 =	sgt.s32 s14, $0x31  }
0x16: {  	s16 =	smov.u32 @p2 s12  }
0x17: {  	s14 =	simm.s32 @p2 $0x0;
	p2 =	sgt.s32 s16, $0xFFF  }
0x18: {  	s16 =	smov.u32 @p2 s2;
	p2 =	sne.s32 s11, s7  }
.Ltmp1:
0x19: {  	p1 =	slt.u32 s11, $0x2;
	(pc) =	sbr.rel @!p2 .LBB1_6-.Ltmp1, $4  }
0x1a: {  	s15 =	simm.s32 @!p1 $0x2  }
0x1b: {  	s13 =	smov.u32 s10;
	p0 =	por !p0, !p0;
	_ =	swait.ge @!p1 [sflag:s15], $0x2000  }
0x1c: {  	s12 =	smov.u32 s9;
	[sflag:s15] =	ssyncset.done @!p1 $0x0;
	s9 =	smov.u32 s14  }
0x1d: {  	s11 =	sadd.s32 $0x1, s11;
	[sflag:s15] =	ssyncadd.s32 @!p1 $0xFFFFE000;
	s10 =	smov.u32 s16  }
.LBB1_1:
0x1e: {  	p1 =	sge.u32 s11, s5  }
0x1f: {  	s14 =	sand.u32 @!p1 $0x1FFFFFF, s9  }
0x20: {  	s15 =	smulhi.u32 @!p1 $0x4924925, s14;
	_ =	sdelay $0x1  }
0x21: {  	s15 =	smul.u32 @!p1 $0x38, s15  }
0x22: {  	s16 =	sxor.u32 @!p1 $0xFFFFFFFF, s11;
	s17 =	smul.u32 @!p1 $0x380, s10  }
0x23: {  	s31 =	sadd.s32 $0xFFFFFFFF, s11;
	s16 =	sshll.u32 @!p1 s16, $0xD;
	s14 =	ssub.s32 @!p1 s14, s15  }
0x24: {  	s15 =	sand.u32 @!p1 $0x2000, s16;
	s16 =	sadd.s32 @!p1 s6, s17;
	s14 =	sshll.u32 @!p1 s14, $0x4  }
0x25: {  	s17 =	simm.s32 @!p1 $0x1C00;
	s14 =	sadd.s32 @!p1 s14, s16;
	s16 =	simm.s32 @!p1 $0x40  }
0x26: {  	[tilespmem:s15], [sflag:$0x1] =	stream.strided.gather @!p1 [hbm4b:s14+s16], $0x2000, s17, s16, $0x38;
	[tilespmem:$0x8080] =	vst v63  }
0x27: {  	p1 =	sge.u32 s31, s5  }
.Ltmp2:
0x28: {  	_ = 	snop;
	(pc) =	sbr.rel @p1 .LBB1_5-.Ltmp2, $1  }
0x29: {  	_ =	sdelay $0x3  }
0x2a: {  	s14 =	simm.s32 $0x1  }
0x2b: {  	_ =	swait.ge [sflag:s4], $0x2000;
	s14 =	simm.s32 @!p0 $0x0  }
0x2c: {  	[sflag:s4] =	ssyncset.done $0x0;
	s15 =	sshll.u32 s14, $0xD  }
0x2d: {  	[sflag:s4] =	ssyncadd.s32 $0xFFFFE000;
	s18 =	sor.u32 $0x20, s15  }
0x2e: {  	s14 =	smul.u32 $0x8100, s14;
	v3 =	vld [tilespmem:s18+$0x10]  }
0x2f: {  	s30 =	sand.u32 $0x1, s11;
	v2 =	vld [tilespmem:s18+$0xFFFFFFF0]  }
0x30: {  	s15 =	smul.u32 $0x8100, s30;
	s14 =	sshrl.u32 s14, $0x2;
	v0 =	vld [tilespmem:s18+$0x0]  }
0x31: {  	v1 =	vld [tilespmem:s18+$0xFFFFFFE0];
	s16 =	sor.u32 $0x4000, s14  }
0x32: {  	s31 =	sshrl.u32 s15, $0x2;
	s15 =	sadd.s32 $0x0, s16  }
0x33: {  	s17 =	simm.s32 $0x4;
	s18 =	sadd.s32 $0x40, s18;
	s14 =	sor.u32 $0x4000, s31;
	[tilespmem:s15+$0x1830 ss:$0x81] =	vst.msk $0xffff, v3  }
.LBB1_3:
0x34: {  	v3 =	vld [tilespmem:s18+$0x10];
	p1 =	sne.s32 s17, $0x1FC;
	[tilespmem:s15+$0x810 ss:$0x81] =	vst.msk $0xffff, v2;
	s19 =	smov.u32 s17;
	s17 =	sadd.s32 $0x4, s17  }
.Ltmp3:
0x35: {  	v2 =	vld [tilespmem:s18+$0xFFFFFFF0];
	[tilespmem:s15+$0x1020 ss:$0x81] =	vst.msk $0xffff, v0;
	(pc) =	sbr.rel @p1 .LBB1_3-.Ltmp3, $4  }
0x36: {  	v0 =	vld [tilespmem:s18+$0x0];
	[tilespmem:s15+$0x0 ss:$0x81] =	vst.msk $0xffff, v1  }
0x37: {  	s15 =	sshra.s32 s19, $0x2;
	v1 =	vld [tilespmem:s18+$0xFFFFFFE0]  }
0x38: {  	s15 =	sadd.s32 s15, s16  }
0x39: {  	s18 =	sadd.s32 $0x40, s18;
	[tilespmem:s15+$0x1830 ss:$0x81] =	vst.msk $0xffff, v3  }
.Ltmp4:
0x3a: {  	_ = 	snop;
	(pc) =	sbr.rel .LBB1_4-.Ltmp4, $1  }
0x3b: {  	_ =	sdelay $0x3  }
.LBB1_6:
0x3c: {  	_ =	sfence.sel $0x180000  }
0x3d: {  	s2 =	simm.s32 $0x1;
	[bflag:$0x0] =	sbarrier.arrive $0xFFFF  }
0x3e: {  	s31 =	simm.s32 $0x2;
	[sflag:s2] =	ssyncpa.u1 $0x1  }
0x3f: {  	[sflag:s31] =	ssyncpa.u1 $0x1  }
0x40: {  	p0 =	sne.s32 s0, $0x0;
	_ =	strace $0x9000004A  }
0x41: {  	s0 =	sadd.s32 @!p0 $0x100000, s1;
	[bflag:$0x2] =	sbarrier.arrive $0xFFFF  }
0x42: {  	[sflag:s0] =	ssyncadd.tile.s32 @!p0 $0x1;
	_ =	shalt  }
.Lfunc_end1:
_tile_overlayer_lowered:
.L_overlay_start_2:
0x43: {  	(tag) =	ssettag $0x2  }
0x44: {  	s0 =	rddreg [dreg:$0x0];
	s2 =	stileid.u32  }
0x45: {  	s1 =	rddreg [dreg:$0x1];
	p0 =	sne.s32 s2, $0x0  }
0x46: {  	s3 =	rddreg [dreg:$0x2];
	[bflag:$0x3] =	sbarrier.arrive $0xFFFF;
	s2 =	simm.s32 @!p0 $0x1C01  }
0x47: {  	[timem:s3], [sflag:s2] =	dma.local @!p0 [hbm:s0], s1  }
0x48: {  	s0 =	simm.s32 @!p0 $0x1  }
0x49: {  	_ =	swait.ge @!p0 [sflag:s0], s1  }
0x4a: {  	s1 =	ssub.s32 @!p0 $0x0, s1;
	[sflag:s0] =	ssyncset.done @!p0 $0x0  }
0x4b: {  	[sflag:s0] =	ssyncadd.s32 @!p0 s1  }
0x4c: {  	[bflag:$0x3] =	sbarrier.arrive $0xFFFF  }
0x4d: {  	_ =	shalt  }

</sc_bundles>
